<compile_context>
chip_gen: v7x
topology: tpu7x:2x2x1
jax: 0.10.2.dev20260603
libtpu: 0.0.44.dev20260713+nightly
codegen_flags: <defaults>
</compile_context>

<pallas_src>
import functools
import math

import jax
import jax.numpy as jnp
import numpy as np
from jax import lax
from jax.experimental import pallas as pl
from jax.experimental.pallas import tpu as pltpu
from jax.experimental.pallas import tpu_sc as plsc

VOCAB = 100000
HIDDEN = 1024
MAX_SEQ = 2048
BATCH = 4
SEQ = 2048

SCALE = math.sqrt(HIDDEN)

NC = 2
NS = 16
L = 16
NW = NC * NS
S_PER_W = SEQ // NW
CH = 32
N_CHUNK = S_PER_W // CH


def _sinusoidal_pe_np(max_seq_len, d):
    pos = np.arange(max_seq_len, dtype=np.float32)[:, None]
    i = np.arange(0, d, 2, dtype=np.float32)
    div = np.exp(-math.log(10000.0) * i / d)
    pe = np.zeros((max_seq_len, d), dtype=np.float32)
    pe[:, 0::2] = np.sin(pos * div)
    pe[:, 1::2] = np.cos(pos * div)
    return pe


_PE = _sinusoidal_pe_np(MAX_SEQ, HIDDEN)


def _body(ids_hbm, table_hbm, pe_hbm, out_hbm, idx_v, pe_v, rows_v, sem):
    wid = lax.axis_index("s") * NC + lax.axis_index("c")
    s0 = wid * S_PER_W
    for j in range(N_CHUNK):
        sj = s0 + j * CH
        pltpu.sync_copy(pe_hbm.at[pl.ds(sj, CH)], pe_v)
        for b in range(BATCH):
            row0 = b * SEQ + sj
            pltpu.sync_copy(ids_hbm.at[pl.ds(row0, CH)], idx_v)
            pltpu.async_copy(table_hbm.at[idx_v], rows_v, sem).wait()

            def comp_row(r, _):
                def comp_col(c, _):
                    sl = pl.ds(c * L, L)
                    rows_v[r, sl] = rows_v[r, sl] * SCALE + pe_v[r, sl]
                    return 0

                lax.fori_loop(0, HIDDEN // L, comp_col, 0)
                return 0

            lax.fori_loop(0, CH, comp_row, 0)
            pltpu.sync_copy(rows_v, out_hbm.at[pl.ds(row0, CH)])


@jax.jit
def _embed_sc(ids_flat, table, pe):
    mesh = plsc.VectorSubcoreMesh(core_axis_name="c", subcore_axis_name="s")
    k = functools.partial(
        pl.kernel,
        mesh=mesh,
        out_type=jax.ShapeDtypeStruct((BATCH * SEQ, HIDDEN), jnp.float32),
        scratch_types=[
            pltpu.VMEM((CH,), jnp.int32),
            pltpu.VMEM((CH, HIDDEN), jnp.float32),
            pltpu.VMEM((CH, HIDDEN), jnp.float32),
            pltpu.SemaphoreType.DMA,
        ],
    )(_body)
    return k(ids_flat, table, pe)


def kernel(input_ids, token_table):
    ids_flat = input_ids.reshape(-1).astype(jnp.int32)
    pe = jnp.asarray(_PE)
    out = _embed_sc(ids_flat, token_table, pe)
    return out.reshape(BATCH, SEQ, HIDDEN)

# --- scband reference (transcript-rebuilt; emitter-appended) ---
"""Pipeline reference for scband-embedding-layer-19301583029032 (READ-ONLY COPY).

The authoritative reference and input builder live on the scoring server;
editing this copy changes nothing except your own understanding.
"""

import math
import jax, jax.numpy as jnp
import numpy as np

VOCAB = 100000
HIDDEN = 1024
MAX_SEQ = 2048
BATCH = 4
SEQ = 2048


def _sinusoidal_pe(max_seq_len, d):
    pos = np.arange(max_seq_len, dtype=np.float32)[:, None]
    i = np.arange(0, d, 2, dtype=np.float32)
    div = np.exp(-math.log(10000.0) * i / d)
    pe = np.zeros((max_seq_len, d), dtype=np.float32)
    pe[:, 0::2] = np.sin(pos * div)
    pe[:, 1::2] = np.cos(pos * div)
    return jnp.asarray(pe)


def setup_inputs(seed: int = 0) -> dict:
    key = jax.random.key(seed)
    k1, k2 = jax.random.split(key)
    input_ids = jax.random.randint(k1, (BATCH, SEQ), 0, VOCAB, dtype=jnp.int64 if jax.config.jax_enable_x64 else jnp.int32)
    token_table = jax.random.normal(k2, (VOCAB, HIDDEN), dtype=jnp.float32) * 0.02
    return {"input_ids": input_ids, "token_table": token_table}


def reference(input_ids, token_table):
    # token embedding lookup (gather)
    token_embs = jnp.take(token_table, input_ids, axis=0)  # [B, S, H]
    # scale by sqrt(hidden)
    scaled = token_embs * math.sqrt(HIDDEN)
    # add sinusoidal positional encoding (start_pos=0, position_ids=None)
    pe = _sinusoidal_pe(MAX_SEQ, HIDDEN)
    seq_len = input_ids.shape[1]
    out = scaled + pe[None, 0:seq_len, :]
    # dropout_p=0.0 -> identity
    return out

if __name__ == "__main__":
    import jax
    _d = setup_inputs()
    print(jax.jit(kernel)(*tuple(_d.values())))

</pallas_src>

<mosaic_0001>
#map = affine_map<(d0, d1) -> (0)>
#map1 = affine_map<(d0, d1) -> (0, 0)>
module attributes {stable_mosaic.version = 14 : i64} {
  func.func @_body(%arg0: i32, %arg1: i32, %arg2: memref<8192xi32, #tpu.memory_space<hbm>>, %arg3: memref<100000x1024xf32, #tpu.memory_space<hbm>>, %arg4: memref<2048x1024xf32, #tpu.memory_space<hbm>>, %arg5: memref<8192x1024xf32, #tpu.memory_space<hbm>>, %arg6: memref<32xi32, #tpu.memory_space<vmem>>, %arg7: memref<32x1024xf32, #tpu.memory_space<vmem>>, %arg8: memref<32x1024xf32, #tpu.memory_space<vmem>>, %arg9: memref<!tpu.dma_semaphore, #tpu.memory_space<semaphore_mem>>) attributes {dimension_semantics = [#tpu.dimension_semantics<core_parallel>, #tpu.dimension_semantics<subcore_parallel>], iteration_bounds = array<i64: 2, 16>, scalar_prefetch = 0 : i64, scratch_operands = 4 : i64, tpu.core_type = #tpu.core_type<sc_vector_subcore>, window_params = [{transform_indices = #map}, {transform_indices = #map1}, {transform_indices = #map1}, {transform_indices = #map1}]} {
    %mul3A = arith.constant 2 : i32
    %mul3A_0 = arith.muli %arg1, %mul3A : i32
    %add3A = arith.addi %mul3A_0, %arg0 : i32
    %mul3A_1 = arith.constant 64 : i32
    %mul3A_2 = arith.muli %add3A, %mul3A_1 : i32
    %add3A_3 = arith.constant 0 : i32
    %add3A_4 = arith.addi %mul3A_2, %add3A_3 : i32
    "tpu.region"() ({
      %run_scoped3A = tpu.sem_alloc : memref<!tpu.dma_semaphore, #tpu.memory_space<semaphore_mem>>
      %dma_start3A_124 = arith.constant 0 : i32
      %dma_start3A_125 = tpu.memref_slice %arg4[%add3A_4, %dma_start3A_124] : memref<2048x1024xf32, #tpu.memory_space<hbm>> -> memref<32x1024xf32, #tpu.memory_space<hbm>>
      %dma_start3A_126 = arith.constant 0 : i32
      %dma_start3A_127 = tpu.memref_slice %arg4[%add3A_4, %dma_start3A_126] : memref<2048x1024xf32, #tpu.memory_space<hbm>> -> memref<32x1024xf32, #tpu.memory_space<hbm>>
      tpu.enqueue_dma source(%dma_start3A_127 : memref<32x1024xf32, #tpu.memory_space<hbm>>) target(%arg7 : memref<32x1024xf32, #tpu.memory_space<vmem>>) target_semaphore(%run_scoped3A : memref<!tpu.dma_semaphore, #tpu.memory_space<semaphore_mem>>)
      %dma_wait3A_128 = arith.constant 0 : i32
      %dma_wait3A_129 = tpu.memref_slice %arg4[%add3A_4, %dma_wait3A_128] : memref<2048x1024xf32, #tpu.memory_space<hbm>> -> memref<32x1024xf32, #tpu.memory_space<hbm>>
      %dma_wait3A_130 = arith.constant 0 : i32
      %dma_wait3A_131 = tpu.memref_slice %arg4[%add3A_4, %dma_wait3A_130] : memref<2048x1024xf32, #tpu.memory_space<hbm>> -> memref<32x1024xf32, #tpu.memory_space<hbm>>
      tpu.wait_dma2 semaphore(%run_scoped3A : memref<!tpu.dma_semaphore, #tpu.memory_space<semaphore_mem>>) src(%dma_wait3A_131 : memref<32x1024xf32, #tpu.memory_space<hbm>>) dst(%arg7 : memref<32x1024xf32, #tpu.memory_space<vmem>>)
      tpu.yield
    }) : () -> ()
    %add3A_5 = arith.constant 0 : i32
    %add3A_6 = arith.addi %add3A_5, %add3A_4 : i32
    "tpu.region"() ({
      %run_scoped3A = tpu.sem_alloc : memref<!tpu.dma_semaphore, #tpu.memory_space<semaphore_mem>>
      %dma_start3A_124 = tpu.memref_slice %arg2[%add3A_6] : memref<8192xi32, #tpu.memory_space<hbm>> -> memref<32xi32, #tpu.memory_space<hbm>>
      %dma_start3A_125 = tpu.memref_slice %arg2[%add3A_6] : memref<8192xi32, #tpu.memory_space<hbm>> -> memref<32xi32, #tpu.memory_space<hbm>>
      tpu.enqueue_dma source(%dma_start3A_125 : memref<32xi32, #tpu.memory_space<hbm>>) target(%arg6 : memref<32xi32, #tpu.memory_space<vmem>>) target_semaphore(%run_scoped3A : memref<!tpu.dma_semaphore, #tpu.memory_space<semaphore_mem>>)
      %dma_wait3A_126 = tpu.memref_slice %arg2[%add3A_6] : memref<8192xi32, #tpu.memory_space<hbm>> -> memref<32xi32, #tpu.memory_space<hbm>>
      %dma_wait3A_127 = tpu.memref_slice %arg2[%add3A_6] : memref<8192xi32, #tpu.memory_space<hbm>> -> memref<32xi32, #tpu.memory_space<hbm>>
      tpu.wait_dma2 semaphore(%run_scoped3A : memref<!tpu.dma_semaphore, #tpu.memory_space<semaphore_mem>>) src(%dma_wait3A_127 : memref<32xi32, #tpu.memory_space<hbm>>) dst(%arg6 : memref<32xi32, #tpu.memory_space<vmem>>)
      tpu.yield
    }) : () -> ()
    %dma_start3A = arith.constant 0 : i32
    %dma_start3A_7 = arith.constant 0 : i32
    %dma_start3A_8 = tpu.memref_slice %arg3[%dma_start3A, %dma_start3A_7] : memref<100000x1024xf32, #tpu.memory_space<hbm>> -> memref<100000x1024xf32, #tpu.memory_space<hbm>>
    tpu.enqueue_indirect_dma source(%dma_start3A_8 : memref<100000x1024xf32, #tpu.memory_space<hbm>>) target(%arg8 : memref<32x1024xf32, #tpu.memory_space<vmem>>) offsets(%arg6 : memref<32xi32, #tpu.memory_space<vmem>>) semaphore(%arg9 : memref<!tpu.dma_semaphore, #tpu.memory_space<semaphore_mem>>)
    %dma_wait3A = arith.constant 0 : i32
    %dma_wait3A_9 = arith.constant 0 : i32
    %dma_wait3A_10 = tpu.memref_slice %arg3[%dma_wait3A, %dma_wait3A_9] : memref<100000x1024xf32, #tpu.memory_space<hbm>> -> memref<100000x1024xf32, #tpu.memory_space<hbm>>
    tpu.wait_indirect_dma semaphore(%arg9 : memref<!tpu.dma_semaphore, #tpu.memory_space<semaphore_mem>>) src(%dma_wait3A_10 : memref<100000x1024xf32, #tpu.memory_space<hbm>>) dst(%arg8 : memref<32x1024xf32, #tpu.memory_space<vmem>>)
    %scan3A = arith.constant 0 : i32
    %scan3A_11 = arith.constant 0 : i32
    %scan3A_12 = arith.constant 32 : i32
    %scan3A_13 = arith.addi %scan3A_11, %scan3A_12 : i32
    %scan3A_14 = arith.constant 1 : i32
    %scan3A_15 = scf.for %scan3A_124 = %scan3A_11 to %scan3A_13 step %scan3A_14 iter_args(%scan3A_125 = %scan3A) -> (i32)  : i32 {
      %scan3A_126 = arith.constant 0 : i32
      %scan3A_127 = arith.constant 0 : i32
      %scan3A_128 = arith.constant 64 : i32
      %scan3A_129 = arith.addi %scan3A_127, %scan3A_128 : i32
      %scan3A_130 = arith.constant 1 : i32
      %scan3A_131 = scf.for %scan3A_134 = %scan3A_127 to %scan3A_129 step %scan3A_130 iter_args(%scan3A_135 = %scan3A_126) -> (i32)  : i32 {
        %mul3A_136 = arith.constant 16 : i32
        %mul3A_137 = arith.muli %scan3A_134, %mul3A_136 : i32
        %get3A = arith.index_cast %scan3A_124 : i32 to index
        %get3A_138 = arith.index_cast %mul3A_137 : i32 to index
        %get3A_139 = tpu.vector_load %arg8[%get3A, %get3A_138] {strides = array<i32>} : memref<32x1024xf32, #tpu.memory_space<vmem>>, vector<1x16xf32>,
        %get3A_140 = vector.shape_cast %get3A_139 : vector<1x16xf32> to vector<16xf32>
        %mul3A_141 = arith.constant 3.200000e+01 : f32
        %mul3A_142 = vector.broadcast %mul3A_141 : f32 to vector<16xf32>
        %mul3A_143 = arith.mulf %get3A_140, %mul3A_142 : vector<16xf32>
        %get3A_144 = arith.index_cast %scan3A_124 : i32 to index
        %get3A_145 = arith.index_cast %mul3A_137 : i32 to index
        %get3A_146 = tpu.vector_load %arg7[%get3A_144, %get3A_145] {strides = array<i32>} : memref<32x1024xf32, #tpu.memory_space<vmem>>, vector<1x16xf32>,
        %get3A_147 = vector.shape_cast %get3A_146 : vector<1x16xf32> to vector<16xf32>
        %add3A_148 = arith.addf %mul3A_143, %get3A_147 : vector<16xf32>
        %swap3A = arith.index_cast %scan3A_124 : i32 to index
        %swap3A_149 = arith.index_cast %mul3A_137 : i32 to index
        %swap3A_150 = tpu.vector_load %arg8[%swap3A, %swap3A_149] {strides = array<i32>} : memref<32x1024xf32, #tpu.memory_space<vmem>>, vector<1x16xf32>,
        %swap3A_151 = vector.shape_cast %swap3A_150 : vector<1x16xf32> to vector<16xf32>
        %swap3A_152 = vector.shape_cast %add3A_148 : vector<16xf32> to vector<1x16xf32>
        tpu.vector_store %arg8[%swap3A, %swap3A_149], %swap3A_152 {strides = array<i32>} : memref<32x1024xf32, #tpu.memory_space<vmem>>, vector<1x16xf32>,
        %scan3A_153 = arith.constant 0 : i32
        scf.yield %scan3A_153 : i32
      }
      %scan3A_132 = arith.constant 64 : i32
      %scan3A_133 = arith.constant 0 : i32
      scf.yield %scan3A_133 : i32
    }
    %scan3A_16 = arith.constant 32 : i32
    "tpu.region"() ({
      %run_scoped3A = tpu.sem_alloc : memref<!tpu.dma_semaphore, #tpu.memory_space<semaphore_mem>>
      %dma_start3A_124 = arith.constant 0 : i32
      %dma_start3A_125 = tpu.memref_slice %arg5[%add3A_6, %dma_start3A_124] : memref<8192x1024xf32, #tpu.memory_space<hbm>> -> memref<32x1024xf32, #tpu.memory_space<hbm>>
      %dma_start3A_126 = arith.constant 0 : i32
      %dma_start3A_127 = tpu.memref_slice %arg5[%add3A_6, %dma_start3A_126] : memref<8192x1024xf32, #tpu.memory_space<hbm>> -> memref<32x1024xf32, #tpu.memory_space<hbm>>
      tpu.enqueue_dma source(%arg8 : memref<32x1024xf32, #tpu.memory_space<vmem>>) target(%dma_start3A_127 : memref<32x1024xf32, #tpu.memory_space<hbm>>) target_semaphore(%run_scoped3A : memref<!tpu.dma_semaphore, #tpu.memory_space<semaphore_mem>>)
      %dma_wait3A_128 = arith.constant 0 : i32
      %dma_wait3A_129 = tpu.memref_slice %arg5[%add3A_6, %dma_wait3A_128] : memref<8192x1024xf32, #tpu.memory_space<hbm>> -> memref<32x1024xf32, #tpu.memory_space<hbm>>
      %dma_wait3A_130 = arith.constant 0 : i32
      %dma_wait3A_131 = tpu.memref_slice %arg5[%add3A_6, %dma_wait3A_130] : memref<8192x1024xf32, #tpu.memory_space<hbm>> -> memref<32x1024xf32, #tpu.memory_space<hbm>>
      tpu.wait_dma2 semaphore(%run_scoped3A : memref<!tpu.dma_semaphore, #tpu.memory_space<semaphore_mem>>) src(%arg8 : memref<32x1024xf32, #tpu.memory_space<vmem>>) dst(%dma_wait3A_131 : memref<32x1024xf32, #tpu.memory_space<hbm>>)
      tpu.yield
    }) : () -> ()
    %add3A_17 = arith.constant 2048 : i32
    %add3A_18 = arith.addi %add3A_17, %add3A_4 : i32
    "tpu.region"() ({
      %run_scoped3A = tpu.sem_alloc : memref<!tpu.dma_semaphore, #tpu.memory_space<semaphore_mem>>
      %dma_start3A_124 = tpu.memref_slice %arg2[%add3A_18] : memref<8192xi32, #tpu.memory_space<hbm>> -> memref<32xi32, #tpu.memory_space<hbm>>
      %dma_start3A_125 = tpu.memref_slice %arg2[%add3A_18] : memref<8192xi32, #tpu.memory_space<hbm>> -> memref<32xi32, #tpu.memory_space<hbm>>
      tpu.enqueue_dma source(%dma_start3A_125 : memref<32xi32, #tpu.memory_space<hbm>>) target(%arg6 : memref<32xi32, #tpu.memory_space<vmem>>) target_semaphore(%run_scoped3A : memref<!tpu.dma_semaphore, #tpu.memory_space<semaphore_mem>>)
      %dma_wait3A_126 = tpu.memref_slice %arg2[%add3A_18] : memref<8192xi32, #tpu.memory_space<hbm>> -> memref<32xi32, #tpu.memory_space<hbm>>
      %dma_wait3A_127 = tpu.memref_slice %arg2[%add3A_18] : memref<8192xi32, #tpu.memory_space<hbm>> -> memref<32xi32, #tpu.memory_space<hbm>>
      tpu.wait_dma2 semaphore(%run_scoped3A : memref<!tpu.dma_semaphore, #tpu.memory_space<semaphore_mem>>) src(%dma_wait3A_127 : memref<32xi32, #tpu.memory_space<hbm>>) dst(%arg6 : memref<32xi32, #tpu.memory_space<vmem>>)
      tpu.yield
    }) : () -> ()
    %dma_start3A_19 = arith.constant 0 : i32
    %dma_start3A_20 = arith.constant 0 : i32
    %dma_start3A_21 = tpu.memref_slice %arg3[%dma_start3A_19, %dma_start3A_20] : memref<100000x1024xf32, #tpu.memory_space<hbm>> -> memref<100000x1024xf32, #tpu.memory_space<hbm>>
    tpu.enqueue_indirect_dma source(%dma_start3A_21 : memref<100000x1024xf32, #tpu.memory_space<hbm>>) target(%arg8 : memref<32x1024xf32, #tpu.memory_space<vmem>>) offsets(%arg6 : memref<32xi32, #tpu.memory_space<vmem>>) semaphore(%arg9 : memref<!tpu.dma_semaphore, #tpu.memory_space<semaphore_mem>>)
    %dma_wait3A_22 = arith.constant 0 : i32
    %dma_wait3A_23 = arith.constant 0 : i32
    %dma_wait3A_24 = tpu.memref_slice %arg3[%dma_wait3A_22, %dma_wait3A_23] : memref<100000x1024xf32, #tpu.memory_space<hbm>> -> memref<100000x1024xf32, #tpu.memory_space<hbm>>
    tpu.wait_indirect_dma semaphore(%arg9 : memref<!tpu.dma_semaphore, #tpu.memory_space<semaphore_mem>>) src(%dma_wait3A_24 : memref<100000x1024xf32, #tpu.memory_space<hbm>>) dst(%arg8 : memref<32x1024xf32, #tpu.memory_space<vmem>>)
    %scan3A_25 = arith.constant 0 : i32
    %scan3A_26 = arith.constant 0 : i32
    %scan3A_27 = arith.constant 32 : i32
    %scan3A_28 = arith.addi %scan3A_26, %scan3A_27 : i32
    %scan3A_29 = arith.constant 1 : i32
    %scan3A_30 = scf.for %scan3A_124 = %scan3A_26 to %scan3A_28 step %scan3A_29 iter_args(%scan3A_125 = %scan3A_25) -> (i32)  : i32 {
      %scan3A_126 = arith.constant 0 : i32
      %scan3A_127 = arith.constant 0 : i32
      %scan3A_128 = arith.constant 64 : i32
      %scan3A_129 = arith.addi %scan3A_127, %scan3A_128 : i32
      %scan3A_130 = arith.constant 1 : i32
      %scan3A_131 = scf.for %scan3A_134 = %scan3A_127 to %scan3A_129 step %scan3A_130 iter_args(%scan3A_135 = %scan3A_126) -> (i32)  : i32 {
        %mul3A_136 = arith.constant 16 : i32
        %mul3A_137 = arith.muli %scan3A_134, %mul3A_136 : i32
        %get3A = arith.index_cast %scan3A_124 : i32 to index
        %get3A_138 = arith.index_cast %mul3A_137 : i32 to index
        %get3A_139 = tpu.vector_load %arg8[%get3A, %get3A_138] {strides = array<i32>} : memref<32x1024xf32, #tpu.memory_space<vmem>>, vector<1x16xf32>,
        %get3A_140 = vector.shape_cast %get3A_139 : vector<1x16xf32> to vector<16xf32>
        %mul3A_141 = arith.constant 3.200000e+01 : f32
        %mul3A_142 = vector.broadcast %mul3A_141 : f32 to vector<16xf32>
        %mul3A_143 = arith.mulf %get3A_140, %mul3A_142 : vector<16xf32>
        %get3A_144 = arith.index_cast %scan3A_124 : i32 to index
        %get3A_145 = arith.index_cast %mul3A_137 : i32 to index
        %get3A_146 = tpu.vector_load %arg7[%get3A_144, %get3A_145] {strides = array<i32>} : memref<32x1024xf32, #tpu.memory_space<vmem>>, vector<1x16xf32>,
        %get3A_147 = vector.shape_cast %get3A_146 : vector<1x16xf32> to vector<16xf32>
        %add3A_148 = arith.addf %mul3A_143, %get3A_147 : vector<16xf32>
        %swap3A = arith.index_cast %scan3A_124 : i32 to index
        %swap3A_149 = arith.index_cast %mul3A_137 : i32 to index
        %swap3A_150 = tpu.vector_load %arg8[%swap3A, %swap3A_149] {strides = array<i32>} : memref<32x1024xf32, #tpu.memory_space<vmem>>, vector<1x16xf32>,
        %swap3A_151 = vector.shape_cast %swap3A_150 : vector<1x16xf32> to vector<16xf32>
        %swap3A_152 = vector.shape_cast %add3A_148 : vector<16xf32> to vector<1x16xf32>
        tpu.vector_store %arg8[%swap3A, %swap3A_149], %swap3A_152 {strides = array<i32>} : memref<32x1024xf32, #tpu.memory_space<vmem>>, vector<1x16xf32>,
        %scan3A_153 = arith.constant 0 : i32
        scf.yield %scan3A_153 : i32
      }
      %scan3A_132 = arith.constant 64 : i32
      %scan3A_133 = arith.constant 0 : i32
      scf.yield %scan3A_133 : i32
    }
    %scan3A_31 = arith.constant 32 : i32
    "tpu.region"() ({
      %run_scoped3A = tpu.sem_alloc : memref<!tpu.dma_semaphore, #tpu.memory_space<semaphore_mem>>
      %dma_start3A_124 = arith.constant 0 : i32
      %dma_start3A_125 = tpu.memref_slice %arg5[%add3A_18, %dma_start3A_124] : memref<8192x1024xf32, #tpu.memory_space<hbm>> -> memref<32x1024xf32, #tpu.memory_space<hbm>>
      %dma_start3A_126 = arith.constant 0 : i32
      %dma_start3A_127 = tpu.memref_slice %arg5[%add3A_18, %dma_start3A_126] : memref<8192x1024xf32, #tpu.memory_space<hbm>> -> memref<32x1024xf32, #tpu.memory_space<hbm>>
      tpu.enqueue_dma source(%arg8 : memref<32x1024xf32, #tpu.memory_space<vmem>>) target(%dma_start3A_127 : memref<32x1024xf32, #tpu.memory_space<hbm>>) target_semaphore(%run_scoped3A : memref<!tpu.dma_semaphore, #tpu.memory_space<semaphore_mem>>)
      %dma_wait3A_128 = arith.constant 0 : i32
      %dma_wait3A_129 = tpu.memref_slice %arg5[%add3A_18, %dma_wait3A_128] : memref<8192x1024xf32, #tpu.memory_space<hbm>> -> memref<32x1024xf32, #tpu.memory_space<hbm>>
      %dma_wait3A_130 = arith.constant 0 : i32
      %dma_wait3A_131 = tpu.memref_slice %arg5[%add3A_18, %dma_wait3A_130] : memref<8192x1024xf32, #tpu.memory_space<hbm>> -> memref<32x1024xf32, #tpu.memory_space<hbm>>
      tpu.wait_dma2 semaphore(%run_scoped3A : memref<!tpu.dma_semaphore, #tpu.memory_space<semaphore_mem>>) src(%arg8 : memref<32x1024xf32, #tpu.memory_space<vmem>>) dst(%dma_wait3A_131 : memref<32x1024xf32, #tpu.memory_space<hbm>>)
      tpu.yield
    }) : () -> ()
    %add3A_32 = arith.constant 4096 : i32
    %add3A_33 = arith.addi %add3A_32, %add3A_4 : i32
    "tpu.region"() ({
      %run_scoped3A = tpu.sem_alloc : memref<!tpu.dma_semaphore, #tpu.memory_space<semaphore_mem>>
      %dma_start3A_124 = tpu.memref_slice %arg2[%add3A_33] : memref<8192xi32, #tpu.memory_space<hbm>> -> memref<32xi32, #tpu.memory_space<hbm>>
      %dma_start3A_125 = tpu.memref_slice %arg2[%add3A_33] : memref<8192xi32, #tpu.memory_space<hbm>> -> memref<32xi32, #tpu.memory_space<hbm>>
      tpu.enqueue_dma source(%dma_start3A_125 : memref<32xi32, #tpu.memory_space<hbm>>) target(%arg6 : memref<32xi32, #tpu.memory_space<vmem>>) target_semaphore(%run_scoped3A : memref<!tpu.dma_semaphore, #tpu.memory_space<semaphore_mem>>)
      %dma_wait3A_126 = tpu.memref_slice %arg2[%add3A_33] : memref<8192xi32, #tpu.memory_space<hbm>> -> memref<32xi32, #tpu.memory_space<hbm>>
      %dma_wait3A_127 = tpu.memref_slice %arg2[%add3A_33] : memref<8192xi32, #tpu.memory_space<hbm>> -> memref<32xi32, #tpu.memory_space<hbm>>
      tpu.wait_dma2 semaphore(%run_scoped3A : memref<!tpu.dma_semaphore, #tpu.memory_space<semaphore_mem>>) src(%dma_wait3A_127 : memref<32xi32, #tpu.memory_space<hbm>>) dst(%arg6 : memref<32xi32, #tpu.memory_space<vmem>>)
      tpu.yield
    }) : () -> ()
    %dma_start3A_34 = arith.constant 0 : i32
    %dma_start3A_35 = arith.constant 0 : i32
    %dma_start3A_36 = tpu.memref_slice %arg3[%dma_start3A_34, %dma_start3A_35] : memref<100000x1024xf32, #tpu.memory_space<hbm>> -> memref<100000x1024xf32, #tpu.memory_space<hbm>>
    tpu.enqueue_indirect_dma source(%dma_start3A_36 : memref<100000x1024xf32, #tpu.memory_space<hbm>>) target(%arg8 : memref<32x1024xf32, #tpu.memory_space<vmem>>) offsets(%arg6 : memref<32xi32, #tpu.memory_space<vmem>>) semaphore(%arg9 : memref<!tpu.dma_semaphore, #tpu.memory_space<semaphore_mem>>)
    %dma_wait3A_37 = arith.constant 0 : i32
    %dma_wait3A_38 = arith.constant 0 : i32
    %dma_wait3A_39 = tpu.memref_slice %arg3[%dma_wait3A_37, %dma_wait3A_38] : memref<100000x1024xf32, #tpu.memory_space<hbm>> -> memref<100000x1024xf32, #tpu.memory_space<hbm>>
    tpu.wait_indirect_dma semaphore(%arg9 : memref<!tpu.dma_semaphore, #tpu.memory_space<semaphore_mem>>) src(%dma_wait3A_39 : memref<100000x1024xf32, #tpu.memory_space<hbm>>) dst(%arg8 : memref<32x1024xf32, #tpu.memory_space<vmem>>)
    %scan3A_40 = arith.constant 0 : i32
    %scan3A_41 = arith.constant 0 : i32
    %scan3A_42 = arith.constant 32 : i32
    %scan3A_43 = arith.addi %scan3A_41, %scan3A_42 : i32
    %scan3A_44 = arith.constant 1 : i32
    %scan3A_45 = scf.for %scan3A_124 = %scan3A_41 to %scan3A_43 step %scan3A_44 iter_args(%scan3A_125 = %scan3A_40) -> (i32)  : i32 {
      %scan3A_126 = arith.constant 0 : i32
      %scan3A_127 = arith.constant 0 : i32
      %scan3A_128 = arith.constant 64 : i32
      %scan3A_129 = arith.addi %scan3A_127, %scan3A_128 : i32
      %scan3A_130 = arith.constant 1 : i32
      %scan3A_131 = scf.for %scan3A_134 = %scan3A_127 to %scan3A_129 step %scan3A_130 iter_args(%scan3A_135 = %scan3A_126) -> (i32)  : i32 {
        %mul3A_136 = arith.constant 16 : i32
        %mul3A_137 = arith.muli %scan3A_134, %mul3A_136 : i32
        %get3A = arith.index_cast %scan3A_124 : i32 to index
        %get3A_138 = arith.index_cast %mul3A_137 : i32 to index
        %get3A_139 = tpu.vector_load %arg8[%get3A, %get3A_138] {strides = array<i32>} : memref<32x1024xf32, #tpu.memory_space<vmem>>, vector<1x16xf32>,
        %get3A_140 = vector.shape_cast %get3A_139 : vector<1x16xf32> to vector<16xf32>
        %mul3A_141 = arith.constant 3.200000e+01 : f32
        %mul3A_142 = vector.broadcast %mul3A_141 : f32 to vector<16xf32>
        %mul3A_143 = arith.mulf %get3A_140, %mul3A_142 : vector<16xf32>
        %get3A_144 = arith.index_cast %scan3A_124 : i32 to index
        %get3A_145 = arith.index_cast %mul3A_137 : i32 to index
        %get3A_146 = tpu.vector_load %arg7[%get3A_144, %get3A_145] {strides = array<i32>} : memref<32x1024xf32, #tpu.memory_space<vmem>>, vector<1x16xf32>,
        %get3A_147 = vector.shape_cast %get3A_146 : vector<1x16xf32> to vector<16xf32>
        %add3A_148 = arith.addf %mul3A_143, %get3A_147 : vector<16xf32>
        %swap3A = arith.index_cast %scan3A_124 : i32 to index
        %swap3A_149 = arith.index_cast %mul3A_137 : i32 to index
        %swap3A_150 = tpu.vector_load %arg8[%swap3A, %swap3A_149] {strides = array<i32>} : memref<32x1024xf32, #tpu.memory_space<vmem>>, vector<1x16xf32>,
        %swap3A_151 = vector.shape_cast %swap3A_150 : vector<1x16xf32> to vector<16xf32>
        %swap3A_152 = vector.shape_cast %add3A_148 : vector<16xf32> to vector<1x16xf32>
        tpu.vector_store %arg8[%swap3A, %swap3A_149], %swap3A_152 {strides = array<i32>} : memref<32x1024xf32, #tpu.memory_space<vmem>>, vector<1x16xf32>,
        %scan3A_153 = arith.constant 0 : i32
        scf.yield %scan3A_153 : i32
      }
      %scan3A_132 = arith.constant 64 : i32
      %scan3A_133 = arith.constant 0 : i32
      scf.yield %scan3A_133 : i32
    }
    %scan3A_46 = arith.constant 32 : i32
    "tpu.region"() ({
      %run_scoped3A = tpu.sem_alloc : memref<!tpu.dma_semaphore, #tpu.memory_space<semaphore_mem>>
      %dma_start3A_124 = arith.constant 0 : i32
      %dma_start3A_125 = tpu.memref_slice %arg5[%add3A_33, %dma_start3A_124] : memref<8192x1024xf32, #tpu.memory_space<hbm>> -> memref<32x1024xf32, #tpu.memory_space<hbm>>
      %dma_start3A_126 = arith.constant 0 : i32
      %dma_start3A_127 = tpu.memref_slice %arg5[%add3A_33, %dma_start3A_126] : memref<8192x1024xf32, #tpu.memory_space<hbm>> -> memref<32x1024xf32, #tpu.memory_space<hbm>>
      tpu.enqueue_dma source(%arg8 : memref<32x1024xf32, #tpu.memory_space<vmem>>) target(%dma_start3A_127 : memref<32x1024xf32, #tpu.memory_space<hbm>>) target_semaphore(%run_scoped3A : memref<!tpu.dma_semaphore, #tpu.memory_space<semaphore_mem>>)
      %dma_wait3A_128 = arith.constant 0 : i32
      %dma_wait3A_129 = tpu.memref_slice %arg5[%add3A_33, %dma_wait3A_128] : memref<8192x1024xf32, #tpu.memory_space<hbm>> -> memref<32x1024xf32, #tpu.memory_space<hbm>>
      %dma_wait3A_130 = arith.constant 0 : i32
      %dma_wait3A_131 = tpu.memref_slice %arg5[%add3A_33, %dma_wait3A_130] : memref<8192x1024xf32, #tpu.memory_space<hbm>> -> memref<32x1024xf32, #tpu.memory_space<hbm>>
      tpu.wait_dma2 semaphore(%run_scoped3A : memref<!tpu.dma_semaphore, #tpu.memory_space<semaphore_mem>>) src(%arg8 : memref<32x1024xf32, #tpu.memory_space<vmem>>) dst(%dma_wait3A_131 : memref<32x1024xf32, #tpu.memory_space<hbm>>)
      tpu.yield
    }) : () -> ()
    %add3A_47 = arith.constant 6144 : i32
    %add3A_48 = arith.addi %add3A_47, %add3A_4 : i32
    "tpu.region"() ({
      %run_scoped3A = tpu.sem_alloc : memref<!tpu.dma_semaphore, #tpu.memory_space<semaphore_mem>>
      %dma_start3A_124 = tpu.memref_slice %arg2[%add3A_48] : memref<8192xi32, #tpu.memory_space<hbm>> -> memref<32xi32, #tpu.memory_space<hbm>>
      %dma_start3A_125 = tpu.memref_slice %arg2[%add3A_48] : memref<8192xi32, #tpu.memory_space<hbm>> -> memref<32xi32, #tpu.memory_space<hbm>>
      tpu.enqueue_dma source(%dma_start3A_125 : memref<32xi32, #tpu.memory_space<hbm>>) target(%arg6 : memref<32xi32, #tpu.memory_space<vmem>>) target_semaphore(%run_scoped3A : memref<!tpu.dma_semaphore, #tpu.memory_space<semaphore_mem>>)
      %dma_wait3A_126 = tpu.memref_slice %arg2[%add3A_48] : memref<8192xi32, #tpu.memory_space<hbm>> -> memref<32xi32, #tpu.memory_space<hbm>>
      %dma_wait3A_127 = tpu.memref_slice %arg2[%add3A_48] : memref<8192xi32, #tpu.memory_space<hbm>> -> memref<32xi32, #tpu.memory_space<hbm>>
      tpu.wait_dma2 semaphore(%run_scoped3A : memref<!tpu.dma_semaphore, #tpu.memory_space<semaphore_mem>>) src(%dma_wait3A_127 : memref<32xi32, #tpu.memory_space<hbm>>) dst(%arg6 : memref<32xi32, #tpu.memory_space<vmem>>)
      tpu.yield
    }) : () -> ()
    %dma_start3A_49 = arith.constant 0 : i32
    %dma_start3A_50 = arith.constant 0 : i32
    %dma_start3A_51 = tpu.memref_slice %arg3[%dma_start3A_49, %dma_start3A_50] : memref<100000x1024xf32, #tpu.memory_space<hbm>> -> memref<100000x1024xf32, #tpu.memory_space<hbm>>
    tpu.enqueue_indirect_dma source(%dma_start3A_51 : memref<100000x1024xf32, #tpu.memory_space<hbm>>) target(%arg8 : memref<32x1024xf32, #tpu.memory_space<vmem>>) offsets(%arg6 : memref<32xi32, #tpu.memory_space<vmem>>) semaphore(%arg9 : memref<!tpu.dma_semaphore, #tpu.memory_space<semaphore_mem>>)
    %dma_wait3A_52 = arith.constant 0 : i32
    %dma_wait3A_53 = arith.constant 0 : i32
    %dma_wait3A_54 = tpu.memref_slice %arg3[%dma_wait3A_52, %dma_wait3A_53] : memref<100000x1024xf32, #tpu.memory_space<hbm>> -> memref<100000x1024xf32, #tpu.memory_space<hbm>>
    tpu.wait_indirect_dma semaphore(%arg9 : memref<!tpu.dma_semaphore, #tpu.memory_space<semaphore_mem>>) src(%dma_wait3A_54 : memref<100000x1024xf32, #tpu.memory_space<hbm>>) dst(%arg8 : memref<32x1024xf32, #tpu.memory_space<vmem>>)
    %scan3A_55 = arith.constant 0 : i32
    %scan3A_56 = arith.constant 0 : i32
    %scan3A_57 = arith.constant 32 : i32
    %scan3A_58 = arith.addi %scan3A_56, %scan3A_57 : i32
    %scan3A_59 = arith.constant 1 : i32
    %scan3A_60 = scf.for %scan3A_124 = %scan3A_56 to %scan3A_58 step %scan3A_59 iter_args(%scan3A_125 = %scan3A_55) -> (i32)  : i32 {
      %scan3A_126 = arith.constant 0 : i32
      %scan3A_127 = arith.constant 0 : i32
      %scan3A_128 = arith.constant 64 : i32
      %scan3A_129 = arith.addi %scan3A_127, %scan3A_128 : i32
      %scan3A_130 = arith.constant 1 : i32
      %scan3A_131 = scf.for %scan3A_134 = %scan3A_127 to %scan3A_129 step %scan3A_130 iter_args(%scan3A_135 = %scan3A_126) -> (i32)  : i32 {
        %mul3A_136 = arith.constant 16 : i32
        %mul3A_137 = arith.muli %scan3A_134, %mul3A_136 : i32
        %get3A = arith.index_cast %scan3A_124 : i32 to index
        %get3A_138 = arith.index_cast %mul3A_137 : i32 to index
        %get3A_139 = tpu.vector_load %arg8[%get3A, %get3A_138] {strides = array<i32>} : memref<32x1024xf32, #tpu.memory_space<vmem>>, vector<1x16xf32>,
        %get3A_140 = vector.shape_cast %get3A_139 : vector<1x16xf32> to vector<16xf32>
        %mul3A_141 = arith.constant 3.200000e+01 : f32
        %mul3A_142 = vector.broadcast %mul3A_141 : f32 to vector<16xf32>
        %mul3A_143 = arith.mulf %get3A_140, %mul3A_142 : vector<16xf32>
        %get3A_144 = arith.index_cast %scan3A_124 : i32 to index
        %get3A_145 = arith.index_cast %mul3A_137 : i32 to index
        %get3A_146 = tpu.vector_load %arg7[%get3A_144, %get3A_145] {strides = array<i32>} : memref<32x1024xf32, #tpu.memory_space<vmem>>, vector<1x16xf32>,
        %get3A_147 = vector.shape_cast %get3A_146 : vector<1x16xf32> to vector<16xf32>
        %add3A_148 = arith.addf %mul3A_143, %get3A_147 : vector<16xf32>
        %swap3A = arith.index_cast %scan3A_124 : i32 to index
        %swap3A_149 = arith.index_cast %mul3A_137 : i32 to index
        %swap3A_150 = tpu.vector_load %arg8[%swap3A, %swap3A_149] {strides = array<i32>} : memref<32x1024xf32, #tpu.memory_space<vmem>>, vector<1x16xf32>,
        %swap3A_151 = vector.shape_cast %swap3A_150 : vector<1x16xf32> to vector<16xf32>
        %swap3A_152 = vector.shape_cast %add3A_148 : vector<16xf32> to vector<1x16xf32>
        tpu.vector_store %arg8[%swap3A, %swap3A_149], %swap3A_152 {strides = array<i32>} : memref<32x1024xf32, #tpu.memory_space<vmem>>, vector<1x16xf32>,
        %scan3A_153 = arith.constant 0 : i32
        scf.yield %scan3A_153 : i32
      }
      %scan3A_132 = arith.constant 64 : i32
      %scan3A_133 = arith.constant 0 : i32
      scf.yield %scan3A_133 : i32
    }
    %scan3A_61 = arith.constant 32 : i32
    "tpu.region"() ({
      %run_scoped3A = tpu.sem_alloc : memref<!tpu.dma_semaphore, #tpu.memory_space<semaphore_mem>>
      %dma_start3A_124 = arith.constant 0 : i32
      %dma_start3A_125 = tpu.memref_slice %arg5[%add3A_48, %dma_start3A_124] : memref<8192x1024xf32, #tpu.memory_space<hbm>> -> memref<32x1024xf32, #tpu.memory_space<hbm>>
      %dma_start3A_126 = arith.constant 0 : i32
      %dma_start3A_127 = tpu.memref_slice %arg5[%add3A_48, %dma_start3A_126] : memref<8192x1024xf32, #tpu.memory_space<hbm>> -> memref<32x1024xf32, #tpu.memory_space<hbm>>
      tpu.enqueue_dma source(%arg8 : memref<32x1024xf32, #tpu.memory_space<vmem>>) target(%dma_start3A_127 : memref<32x1024xf32, #tpu.memory_space<hbm>>) target_semaphore(%run_scoped3A : memref<!tpu.dma_semaphore, #tpu.memory_space<semaphore_mem>>)
      %dma_wait3A_128 = arith.constant 0 : i32
      %dma_wait3A_129 = tpu.memref_slice %arg5[%add3A_48, %dma_wait3A_128] : memref<8192x1024xf32, #tpu.memory_space<hbm>> -> memref<32x1024xf32, #tpu.memory_space<hbm>>
      %dma_wait3A_130 = arith.constant 0 : i32
      %dma_wait3A_131 = tpu.memref_slice %arg5[%add3A_48, %dma_wait3A_130] : memref<8192x1024xf32, #tpu.memory_space<hbm>> -> memref<32x1024xf32, #tpu.memory_space<hbm>>
      tpu.wait_dma2 semaphore(%run_scoped3A : memref<!tpu.dma_semaphore, #tpu.memory_space<semaphore_mem>>) src(%arg8 : memref<32x1024xf32, #tpu.memory_space<vmem>>) dst(%dma_wait3A_131 : memref<32x1024xf32, #tpu.memory_space<hbm>>)
      tpu.yield
    }) : () -> ()
    %add3A_62 = arith.constant 32 : i32
    %add3A_63 = arith.addi %mul3A_2, %add3A_62 : i32
    "tpu.region"() ({
      %run_scoped3A = tpu.sem_alloc : memref<!tpu.dma_semaphore, #tpu.memory_space<semaphore_mem>>
      %dma_start3A_124 = arith.constant 0 : i32
      %dma_start3A_125 = tpu.memref_slice %arg4[%add3A_63, %dma_start3A_124] : memref<2048x1024xf32, #tpu.memory_space<hbm>> -> memref<32x1024xf32, #tpu.memory_space<hbm>>
      %dma_start3A_126 = arith.constant 0 : i32
      %dma_start3A_127 = tpu.memref_slice %arg4[%add3A_63, %dma_start3A_126] : memref<2048x1024xf32, #tpu.memory_space<hbm>> -> memref<32x1024xf32, #tpu.memory_space<hbm>>
      tpu.enqueue_dma source(%dma_start3A_127 : memref<32x1024xf32, #tpu.memory_space<hbm>>) target(%arg7 : memref<32x1024xf32, #tpu.memory_space<vmem>>) target_semaphore(%run_scoped3A : memref<!tpu.dma_semaphore, #tpu.memory_space<semaphore_mem>>)
      %dma_wait3A_128 = arith.constant 0 : i32
      %dma_wait3A_129 = tpu.memref_slice %arg4[%add3A_63, %dma_wait3A_128] : memref<2048x1024xf32, #tpu.memory_space<hbm>> -> memref<32x1024xf32, #tpu.memory_space<hbm>>
      %dma_wait3A_130 = arith.constant 0 : i32
      %dma_wait3A_131 = tpu.memref_slice %arg4[%add3A_63, %dma_wait3A_130] : memref<2048x1024xf32, #tpu.memory_space<hbm>> -> memref<32x1024xf32, #tpu.memory_space<hbm>>
      tpu.wait_dma2 semaphore(%run_scoped3A : memref<!tpu.dma_semaphore, #tpu.memory_space<semaphore_mem>>) src(%dma_wait3A_131 : memref<32x1024xf32, #tpu.memory_space<hbm>>) dst(%arg7 : memref<32x1024xf32, #tpu.memory_space<vmem>>)
      tpu.yield
    }) : () -> ()
    %add3A_64 = arith.constant 0 : i32
    %add3A_65 = arith.addi %add3A_64, %add3A_63 : i32
    "tpu.region"() ({
      %run_scoped3A = tpu.sem_alloc : memref<!tpu.dma_semaphore, #tpu.memory_space<semaphore_mem>>
      %dma_start3A_124 = tpu.memref_slice %arg2[%add3A_65] : memref<8192xi32, #tpu.memory_space<hbm>> -> memref<32xi32, #tpu.memory_space<hbm>>
      %dma_start3A_125 = tpu.memref_slice %arg2[%add3A_65] : memref<8192xi32, #tpu.memory_space<hbm>> -> memref<32xi32, #tpu.memory_space<hbm>>
      tpu.enqueue_dma source(%dma_start3A_125 : memref<32xi32, #tpu.memory_space<hbm>>) target(%arg6 : memref<32xi32, #tpu.memory_space<vmem>>) target_semaphore(%run_scoped3A : memref<!tpu.dma_semaphore, #tpu.memory_space<semaphore_mem>>)
      %dma_wait3A_126 = tpu.memref_slice %arg2[%add3A_65] : memref<8192xi32, #tpu.memory_space<hbm>> -> memref<32xi32, #tpu.memory_space<hbm>>
      %dma_wait3A_127 = tpu.memref_slice %arg2[%add3A_65] : memref<8192xi32, #tpu.memory_space<hbm>> -> memref<32xi32, #tpu.memory_space<hbm>>
      tpu.wait_dma2 semaphore(%run_scoped3A : memref<!tpu.dma_semaphore, #tpu.memory_space<semaphore_mem>>) src(%dma_wait3A_127 : memref<32xi32, #tpu.memory_space<hbm>>) dst(%arg6 : memref<32xi32, #tpu.memory_space<vmem>>)
      tpu.yield
    }) : () -> ()
    %dma_start3A_66 = arith.constant 0 : i32
    %dma_start3A_67 = arith.constant 0 : i32
    %dma_start3A_68 = tpu.memref_slice %arg3[%dma_start3A_66, %dma_start3A_67] : memref<100000x1024xf32, #tpu.memory_space<hbm>> -> memref<100000x1024xf32, #tpu.memory_space<hbm>>
    tpu.enqueue_indirect_dma source(%dma_start3A_68 : memref<100000x1024xf32, #tpu.memory_space<hbm>>) target(%arg8 : memref<32x1024xf32, #tpu.memory_space<vmem>>) offsets(%arg6 : memref<32xi32, #tpu.memory_space<vmem>>) semaphore(%arg9 : memref<!tpu.dma_semaphore, #tpu.memory_space<semaphore_mem>>)
    %dma_wait3A_69 = arith.constant 0 : i32
    %dma_wait3A_70 = arith.constant 0 : i32
    %dma_wait3A_71 = tpu.memref_slice %arg3[%dma_wait3A_69, %dma_wait3A_70] : memref<100000x1024xf32, #tpu.memory_space<hbm>> -> memref<100000x1024xf32, #tpu.memory_space<hbm>>
    tpu.wait_indirect_dma semaphore(%arg9 : memref<!tpu.dma_semaphore, #tpu.memory_space<semaphore_mem>>) src(%dma_wait3A_71 : memref<100000x1024xf32, #tpu.memory_space<hbm>>) dst(%arg8 : memref<32x1024xf32, #tpu.memory_space<vmem>>)
    %scan3A_72 = arith.constant 0 : i32
    %scan3A_73 = arith.constant 0 : i32
    %scan3A_74 = arith.constant 32 : i32
    %scan3A_75 = arith.addi %scan3A_73, %scan3A_74 : i32
    %scan3A_76 = arith.constant 1 : i32
    %scan3A_77 = scf.for %scan3A_124 = %scan3A_73 to %scan3A_75 step %scan3A_76 iter_args(%scan3A_125 = %scan3A_72) -> (i32)  : i32 {
      %scan3A_126 = arith.constant 0 : i32
      %scan3A_127 = arith.constant 0 : i32
      %scan3A_128 = arith.constant 64 : i32
      %scan3A_129 = arith.addi %scan3A_127, %scan3A_128 : i32
      %scan3A_130 = arith.constant 1 : i32
      %scan3A_131 = scf.for %scan3A_134 = %scan3A_127 to %scan3A_129 step %scan3A_130 iter_args(%scan3A_135 = %scan3A_126) -> (i32)  : i32 {
        %mul3A_136 = arith.constant 16 : i32
        %mul3A_137 = arith.muli %scan3A_134, %mul3A_136 : i32
        %get3A = arith.index_cast %scan3A_124 : i32 to index
        %get3A_138 = arith.index_cast %mul3A_137 : i32 to index
        %get3A_139 = tpu.vector_load %arg8[%get3A, %get3A_138] {strides = array<i32>} : memref<32x1024xf32, #tpu.memory_space<vmem>>, vector<1x16xf32>,
        %get3A_140 = vector.shape_cast %get3A_139 : vector<1x16xf32> to vector<16xf32>
        %mul3A_141 = arith.constant 3.200000e+01 : f32
        %mul3A_142 = vector.broadcast %mul3A_141 : f32 to vector<16xf32>
        %mul3A_143 = arith.mulf %get3A_140, %mul3A_142 : vector<16xf32>
        %get3A_144 = arith.index_cast %scan3A_124 : i32 to index
        %get3A_145 = arith.index_cast %mul3A_137 : i32 to index
        %get3A_146 = tpu.vector_load %arg7[%get3A_144, %get3A_145] {strides = array<i32>} : memref<32x1024xf32, #tpu.memory_space<vmem>>, vector<1x16xf32>,
        %get3A_147 = vector.shape_cast %get3A_146 : vector<1x16xf32> to vector<16xf32>
        %add3A_148 = arith.addf %mul3A_143, %get3A_147 : vector<16xf32>
        %swap3A = arith.index_cast %scan3A_124 : i32 to index
        %swap3A_149 = arith.index_cast %mul3A_137 : i32 to index
        %swap3A_150 = tpu.vector_load %arg8[%swap3A, %swap3A_149] {strides = array<i32>} : memref<32x1024xf32, #tpu.memory_space<vmem>>, vector<1x16xf32>,
        %swap3A_151 = vector.shape_cast %swap3A_150 : vector<1x16xf32> to vector<16xf32>
        %swap3A_152 = vector.shape_cast %add3A_148 : vector<16xf32> to vector<1x16xf32>
        tpu.vector_store %arg8[%swap3A, %swap3A_149], %swap3A_152 {strides = array<i32>} : memref<32x1024xf32, #tpu.memory_space<vmem>>, vector<1x16xf32>,
        %scan3A_153 = arith.constant 0 : i32
        scf.yield %scan3A_153 : i32
      }
      %scan3A_132 = arith.constant 64 : i32
      %scan3A_133 = arith.constant 0 : i32
      scf.yield %scan3A_133 : i32
    }
    %scan3A_78 = arith.constant 32 : i32
    "tpu.region"() ({
      %run_scoped3A = tpu.sem_alloc : memref<!tpu.dma_semaphore, #tpu.memory_space<semaphore_mem>>
      %dma_start3A_124 = arith.constant 0 : i32
      %dma_start3A_125 = tpu.memref_slice %arg5[%add3A_65, %dma_start3A_124] : memref<8192x1024xf32, #tpu.memory_space<hbm>> -> memref<32x1024xf32, #tpu.memory_space<hbm>>
      %dma_start3A_126 = arith.constant 0 : i32
      %dma_start3A_127 = tpu.memref_slice %arg5[%add3A_65, %dma_start3A_126] : memref<8192x1024xf32, #tpu.memory_space<hbm>> -> memref<32x1024xf32, #tpu.memory_space<hbm>>
      tpu.enqueue_dma source(%arg8 : memref<32x1024xf32, #tpu.memory_space<vmem>>) target(%dma_start3A_127 : memref<32x1024xf32, #tpu.memory_space<hbm>>) target_semaphore(%run_scoped3A : memref<!tpu.dma_semaphore, #tpu.memory_space<semaphore_mem>>)
      %dma_wait3A_128 = arith.constant 0 : i32
      %dma_wait3A_129 = tpu.memref_slice %arg5[%add3A_65, %dma_wait3A_128] : memref<8192x1024xf32, #tpu.memory_space<hbm>> -> memref<32x1024xf32, #tpu.memory_space<hbm>>
      %dma_wait3A_130 = arith.constant 0 : i32
      %dma_wait3A_131 = tpu.memref_slice %arg5[%add3A_65, %dma_wait3A_130] : memref<8192x1024xf32, #tpu.memory_space<hbm>> -> memref<32x1024xf32, #tpu.memory_space<hbm>>
      tpu.wait_dma2 semaphore(%run_scoped3A : memref<!tpu.dma_semaphore, #tpu.memory_space<semaphore_mem>>) src(%arg8 : memref<32x1024xf32, #tpu.memory_space<vmem>>) dst(%dma_wait3A_131 : memref<32x1024xf32, #tpu.memory_space<hbm>>)
      tpu.yield
    }) : () -> ()
    %add3A_79 = arith.constant 2048 : i32
    %add3A_80 = arith.addi %add3A_79, %add3A_63 : i32
    "tpu.region"() ({
      %run_scoped3A = tpu.sem_alloc : memref<!tpu.dma_semaphore, #tpu.memory_space<semaphore_mem>>
      %dma_start3A_124 = tpu.memref_slice %arg2[%add3A_80] : memref<8192xi32, #tpu.memory_space<hbm>> -> memref<32xi32, #tpu.memory_space<hbm>>
      %dma_start3A_125 = tpu.memref_slice %arg2[%add3A_80] : memref<8192xi32, #tpu.memory_space<hbm>> -> memref<32xi32, #tpu.memory_space<hbm>>
      tpu.enqueue_dma source(%dma_start3A_125 : memref<32xi32, #tpu.memory_space<hbm>>) target(%arg6 : memref<32xi32, #tpu.memory_space<vmem>>) target_semaphore(%run_scoped3A : memref<!tpu.dma_semaphore, #tpu.memory_space<semaphore_mem>>)
      %dma_wait3A_126 = tpu.memref_slice %arg2[%add3A_80] : memref<8192xi32, #tpu.memory_space<hbm>> -> memref<32xi32, #tpu.memory_space<hbm>>
      %dma_wait3A_127 = tpu.memref_slice %arg2[%add3A_80] : memref<8192xi32, #tpu.memory_space<hbm>> -> memref<32xi32, #tpu.memory_space<hbm>>
      tpu.wait_dma2 semaphore(%run_scoped3A : memref<!tpu.dma_semaphore, #tpu.memory_space<semaphore_mem>>) src(%dma_wait3A_127 : memref<32xi32, #tpu.memory_space<hbm>>) dst(%arg6 : memref<32xi32, #tpu.memory_space<vmem>>)
      tpu.yield
    }) : () -> ()
    %dma_start3A_81 = arith.constant 0 : i32
    %dma_start3A_82 = arith.constant 0 : i32
    %dma_start3A_83 = tpu.memref_slice %arg3[%dma_start3A_81, %dma_start3A_82] : memref<100000x1024xf32, #tpu.memory_space<hbm>> -> memref<100000x1024xf32, #tpu.memory_space<hbm>>
    tpu.enqueue_indirect_dma source(%dma_start3A_83 : memref<100000x1024xf32, #tpu.memory_space<hbm>>) target(%arg8 : memref<32x1024xf32, #tpu.memory_space<vmem>>) offsets(%arg6 : memref<32xi32, #tpu.memory_space<vmem>>) semaphore(%arg9 : memref<!tpu.dma_semaphore, #tpu.memory_space<semaphore_mem>>)
    %dma_wait3A_84 = arith.constant 0 : i32
    %dma_wait3A_85 = arith.constant 0 : i32
    %dma_wait3A_86 = tpu.memref_slice %arg3[%dma_wait3A_84, %dma_wait3A_85] : memref<100000x1024xf32, #tpu.memory_space<hbm>> -> memref<100000x1024xf32, #tpu.memory_space<hbm>>
    tpu.wait_indirect_dma semaphore(%arg9 : memref<!tpu.dma_semaphore, #tpu.memory_space<semaphore_mem>>) src(%dma_wait3A_86 : memref<100000x1024xf32, #tpu.memory_space<hbm>>) dst(%arg8 : memref<32x1024xf32, #tpu.memory_space<vmem>>)
    %scan3A_87 = arith.constant 0 : i32
    %scan3A_88 = arith.constant 0 : i32
    %scan3A_89 = arith.constant 32 : i32
    %scan3A_90 = arith.addi %scan3A_88, %scan3A_89 : i32
    %scan3A_91 = arith.constant 1 : i32
    %scan3A_92 = scf.for %scan3A_124 = %scan3A_88 to %scan3A_90 step %scan3A_91 iter_args(%scan3A_125 = %scan3A_87) -> (i32)  : i32 {
      %scan3A_126 = arith.constant 0 : i32
      %scan3A_127 = arith.constant 0 : i32
      %scan3A_128 = arith.constant 64 : i32
      %scan3A_129 = arith.addi %scan3A_127, %scan3A_128 : i32
      %scan3A_130 = arith.constant 1 : i32
      %scan3A_131 = scf.for %scan3A_134 = %scan3A_127 to %scan3A_129 step %scan3A_130 iter_args(%scan3A_135 = %scan3A_126) -> (i32)  : i32 {
        %mul3A_136 = arith.constant 16 : i32
        %mul3A_137 = arith.muli %scan3A_134, %mul3A_136 : i32
        %get3A = arith.index_cast %scan3A_124 : i32 to index
        %get3A_138 = arith.index_cast %mul3A_137 : i32 to index
        %get3A_139 = tpu.vector_load %arg8[%get3A, %get3A_138] {strides = array<i32>} : memref<32x1024xf32, #tpu.memory_space<vmem>>, vector<1x16xf32>,
        %get3A_140 = vector.shape_cast %get3A_139 : vector<1x16xf32> to vector<16xf32>
        %mul3A_141 = arith.constant 3.200000e+01 : f32
        %mul3A_142 = vector.broadcast %mul3A_141 : f32 to vector<16xf32>
        %mul3A_143 = arith.mulf %get3A_140, %mul3A_142 : vector<16xf32>
        %get3A_144 = arith.index_cast %scan3A_124 : i32 to index
        %get3A_145 = arith.index_cast %mul3A_137 : i32 to index
        %get3A_146 = tpu.vector_load %arg7[%get3A_144, %get3A_145] {strides = array<i32>} : memref<32x1024xf32, #tpu.memory_space<vmem>>, vector<1x16xf32>,
        %get3A_147 = vector.shape_cast %get3A_146 : vector<1x16xf32> to vector<16xf32>
        %add3A_148 = arith.addf %mul3A_143, %get3A_147 : vector<16xf32>
        %swap3A = arith.index_cast %scan3A_124 : i32 to index
        %swap3A_149 = arith.index_cast %mul3A_137 : i32 to index
        %swap3A_150 = tpu.vector_load %arg8[%swap3A, %swap3A_149] {strides = array<i32>} : memref<32x1024xf32, #tpu.memory_space<vmem>>, vector<1x16xf32>,
        %swap3A_151 = vector.shape_cast %swap3A_150 : vector<1x16xf32> to vector<16xf32>
        %swap3A_152 = vector.shape_cast %add3A_148 : vector<16xf32> to vector<1x16xf32>
        tpu.vector_store %arg8[%swap3A, %swap3A_149], %swap3A_152 {strides = array<i32>} : memref<32x1024xf32, #tpu.memory_space<vmem>>, vector<1x16xf32>,
        %scan3A_153 = arith.constant 0 : i32
        scf.yield %scan3A_153 : i32
      }
      %scan3A_132 = arith.constant 64 : i32
      %scan3A_133 = arith.constant 0 : i32
      scf.yield %scan3A_133 : i32
    }
    %scan3A_93 = arith.constant 32 : i32
    "tpu.region"() ({
      %run_scoped3A = tpu.sem_alloc : memref<!tpu.dma_semaphore, #tpu.memory_space<semaphore_mem>>
      %dma_start3A_124 = arith.constant 0 : i32
      %dma_start3A_125 = tpu.memref_slice %arg5[%add3A_80, %dma_start3A_124] : memref<8192x1024xf32, #tpu.memory_space<hbm>> -> memref<32x1024xf32, #tpu.memory_space<hbm>>
      %dma_start3A_126 = arith.constant 0 : i32
      %dma_start3A_127 = tpu.memref_slice %arg5[%add3A_80, %dma_start3A_126] : memref<8192x1024xf32, #tpu.memory_space<hbm>> -> memref<32x1024xf32, #tpu.memory_space<hbm>>
      tpu.enqueue_dma source(%arg8 : memref<32x1024xf32, #tpu.memory_space<vmem>>) target(%dma_start3A_127 : memref<32x1024xf32, #tpu.memory_space<hbm>>) target_semaphore(%run_scoped3A : memref<!tpu.dma_semaphore, #tpu.memory_space<semaphore_mem>>)
      %dma_wait3A_128 = arith.constant 0 : i32
      %dma_wait3A_129 = tpu.memref_slice %arg5[%add3A_80, %dma_wait3A_128] : memref<8192x1024xf32, #tpu.memory_space<hbm>> -> memref<32x1024xf32, #tpu.memory_space<hbm>>
      %dma_wait3A_130 = arith.constant 0 : i32
      %dma_wait3A_131 = tpu.memref_slice %arg5[%add3A_80, %dma_wait3A_130] : memref<8192x1024xf32, #tpu.memory_space<hbm>> -> memref<32x1024xf32, #tpu.memory_space<hbm>>
      tpu.wait_dma2 semaphore(%run_scoped3A : memref<!tpu.dma_semaphore, #tpu.memory_space<semaphore_mem>>) src(%arg8 : memref<32x1024xf32, #tpu.memory_space<vmem>>) dst(%dma_wait3A_131 : memref<32x1024xf32, #tpu.memory_space<hbm>>)
      tpu.yield
    }) : () -> ()
    %add3A_94 = arith.constant 4096 : i32
    %add3A_95 = arith.addi %add3A_94, %add3A_63 : i32
    "tpu.region"() ({
      %run_scoped3A = tpu.sem_alloc : memref<!tpu.dma_semaphore, #tpu.memory_space<semaphore_mem>>
      %dma_start3A_124 = tpu.memref_slice %arg2[%add3A_95] : memref<8192xi32, #tpu.memory_space<hbm>> -> memref<32xi32, #tpu.memory_space<hbm>>
      %dma_start3A_125 = tpu.memref_slice %arg2[%add3A_95] : memref<8192xi32, #tpu.memory_space<hbm>> -> memref<32xi32, #tpu.memory_space<hbm>>
      tpu.enqueue_dma source(%dma_start3A_125 : memref<32xi32, #tpu.memory_space<hbm>>) target(%arg6 : memref<32xi32, #tpu.memory_space<vmem>>) target_semaphore(%run_scoped3A : memref<!tpu.dma_semaphore, #tpu.memory_space<semaphore_mem>>)
      %dma_wait3A_126 = tpu.memref_slice %arg2[%add3A_95] : memref<8192xi32, #tpu.memory_space<hbm>> -> memref<32xi32, #tpu.memory_space<hbm>>
      %dma_wait3A_127 = tpu.memref_slice %arg2[%add3A_95] : memref<8192xi32, #tpu.memory_space<hbm>> -> memref<32xi32, #tpu.memory_space<hbm>>
      tpu.wait_dma2 semaphore(%run_scoped3A : memref<!tpu.dma_semaphore, #tpu.memory_space<semaphore_mem>>) src(%dma_wait3A_127 : memref<32xi32, #tpu.memory_space<hbm>>) dst(%arg6 : memref<32xi32, #tpu.memory_space<vmem>>)
      tpu.yield
    }) : () -> ()
    %dma_start3A_96 = arith.constant 0 : i32
    %dma_start3A_97 = arith.constant 0 : i32
    %dma_start3A_98 = tpu.memref_slice %arg3[%dma_start3A_96, %dma_start3A_97] : memref<100000x1024xf32, #tpu.memory_space<hbm>> -> memref<100000x1024xf32, #tpu.memory_space<hbm>>
    tpu.enqueue_indirect_dma source(%dma_start3A_98 : memref<100000x1024xf32, #tpu.memory_space<hbm>>) target(%arg8 : memref<32x1024xf32, #tpu.memory_space<vmem>>) offsets(%arg6 : memref<32xi32, #tpu.memory_space<vmem>>) semaphore(%arg9 : memref<!tpu.dma_semaphore, #tpu.memory_space<semaphore_mem>>)
    %dma_wait3A_99 = arith.constant 0 : i32
    %dma_wait3A_100 = arith.constant 0 : i32
    %dma_wait3A_101 = tpu.memref_slice %arg3[%dma_wait3A_99, %dma_wait3A_100] : memref<100000x1024xf32, #tpu.memory_space<hbm>> -> memref<100000x1024xf32, #tpu.memory_space<hbm>>
    tpu.wait_indirect_dma semaphore(%arg9 : memref<!tpu.dma_semaphore, #tpu.memory_space<semaphore_mem>>) src(%dma_wait3A_101 : memref<100000x1024xf32, #tpu.memory_space<hbm>>) dst(%arg8 : memref<32x1024xf32, #tpu.memory_space<vmem>>)
    %scan3A_102 = arith.constant 0 : i32
    %scan3A_103 = arith.constant 0 : i32
    %scan3A_104 = arith.constant 32 : i32
    %scan3A_105 = arith.addi %scan3A_103, %scan3A_104 : i32
    %scan3A_106 = arith.constant 1 : i32
    %scan3A_107 = scf.for %scan3A_124 = %scan3A_103 to %scan3A_105 step %scan3A_106 iter_args(%scan3A_125 = %scan3A_102) -> (i32)  : i32 {
      %scan3A_126 = arith.constant 0 : i32
      %scan3A_127 = arith.constant 0 : i32
      %scan3A_128 = arith.constant 64 : i32
      %scan3A_129 = arith.addi %scan3A_127, %scan3A_128 : i32
      %scan3A_130 = arith.constant 1 : i32
      %scan3A_131 = scf.for %scan3A_134 = %scan3A_127 to %scan3A_129 step %scan3A_130 iter_args(%scan3A_135 = %scan3A_126) -> (i32)  : i32 {
        %mul3A_136 = arith.constant 16 : i32
        %mul3A_137 = arith.muli %scan3A_134, %mul3A_136 : i32
        %get3A = arith.index_cast %scan3A_124 : i32 to index
        %get3A_138 = arith.index_cast %mul3A_137 : i32 to index
        %get3A_139 = tpu.vector_load %arg8[%get3A, %get3A_138] {strides = array<i32>} : memref<32x1024xf32, #tpu.memory_space<vmem>>, vector<1x16xf32>,
        %get3A_140 = vector.shape_cast %get3A_139 : vector<1x16xf32> to vector<16xf32>
        %mul3A_141 = arith.constant 3.200000e+01 : f32
        %mul3A_142 = vector.broadcast %mul3A_141 : f32 to vector<16xf32>
        %mul3A_143 = arith.mulf %get3A_140, %mul3A_142 : vector<16xf32>
        %get3A_144 = arith.index_cast %scan3A_124 : i32 to index
        %get3A_145 = arith.index_cast %mul3A_137 : i32 to index
        %get3A_146 = tpu.vector_load %arg7[%get3A_144, %get3A_145] {strides = array<i32>} : memref<32x1024xf32, #tpu.memory_space<vmem>>, vector<1x16xf32>,
        %get3A_147 = vector.shape_cast %get3A_146 : vector<1x16xf32> to vector<16xf32>
        %add3A_148 = arith.addf %mul3A_143, %get3A_147 : vector<16xf32>
        %swap3A = arith.index_cast %scan3A_124 : i32 to index
        %swap3A_149 = arith.index_cast %mul3A_137 : i32 to index
        %swap3A_150 = tpu.vector_load %arg8[%swap3A, %swap3A_149] {strides = array<i32>} : memref<32x1024xf32, #tpu.memory_space<vmem>>, vector<1x16xf32>,
        %swap3A_151 = vector.shape_cast %swap3A_150 : vector<1x16xf32> to vector<16xf32>
        %swap3A_152 = vector.shape_cast %add3A_148 : vector<16xf32> to vector<1x16xf32>
        tpu.vector_store %arg8[%swap3A, %swap3A_149], %swap3A_152 {strides = array<i32>} : memref<32x1024xf32, #tpu.memory_space<vmem>>, vector<1x16xf32>,
        %scan3A_153 = arith.constant 0 : i32
        scf.yield %scan3A_153 : i32
      }
      %scan3A_132 = arith.constant 64 : i32
      %scan3A_133 = arith.constant 0 : i32
      scf.yield %scan3A_133 : i32
    }
    %scan3A_108 = arith.constant 32 : i32
    "tpu.region"() ({
      %run_scoped3A = tpu.sem_alloc : memref<!tpu.dma_semaphore, #tpu.memory_space<semaphore_mem>>
      %dma_start3A_124 = arith.constant 0 : i32
      %dma_start3A_125 = tpu.memref_slice %arg5[%add3A_95, %dma_start3A_124] : memref<8192x1024xf32, #tpu.memory_space<hbm>> -> memref<32x1024xf32, #tpu.memory_space<hbm>>
      %dma_start3A_126 = arith.constant 0 : i32
      %dma_start3A_127 = tpu.memref_slice %arg5[%add3A_95, %dma_start3A_126] : memref<8192x1024xf32, #tpu.memory_space<hbm>> -> memref<32x1024xf32, #tpu.memory_space<hbm>>
      tpu.enqueue_dma source(%arg8 : memref<32x1024xf32, #tpu.memory_space<vmem>>) target(%dma_start3A_127 : memref<32x1024xf32, #tpu.memory_space<hbm>>) target_semaphore(%run_scoped3A : memref<!tpu.dma_semaphore, #tpu.memory_space<semaphore_mem>>)
      %dma_wait3A_128 = arith.constant 0 : i32
      %dma_wait3A_129 = tpu.memref_slice %arg5[%add3A_95, %dma_wait3A_128] : memref<8192x1024xf32, #tpu.memory_space<hbm>> -> memref<32x1024xf32, #tpu.memory_space<hbm>>
      %dma_wait3A_130 = arith.constant 0 : i32
      %dma_wait3A_131 = tpu.memref_slice %arg5[%add3A_95, %dma_wait3A_130] : memref<8192x1024xf32, #tpu.memory_space<hbm>> -> memref<32x1024xf32, #tpu.memory_space<hbm>>
      tpu.wait_dma2 semaphore(%run_scoped3A : memref<!tpu.dma_semaphore, #tpu.memory_space<semaphore_mem>>) src(%arg8 : memref<32x1024xf32, #tpu.memory_space<vmem>>) dst(%dma_wait3A_131 : memref<32x1024xf32, #tpu.memory_space<hbm>>)
      tpu.yield
    }) : () -> ()
    %add3A_109 = arith.constant 6144 : i32
    %add3A_110 = arith.addi %add3A_109, %add3A_63 : i32
    "tpu.region"() ({
      %run_scoped3A = tpu.sem_alloc : memref<!tpu.dma_semaphore, #tpu.memory_space<semaphore_mem>>
      %dma_start3A_124 = tpu.memref_slice %arg2[%add3A_110] : memref<8192xi32, #tpu.memory_space<hbm>> -> memref<32xi32, #tpu.memory_space<hbm>>
      %dma_start3A_125 = tpu.memref_slice %arg2[%add3A_110] : memref<8192xi32, #tpu.memory_space<hbm>> -> memref<32xi32, #tpu.memory_space<hbm>>
      tpu.enqueue_dma source(%dma_start3A_125 : memref<32xi32, #tpu.memory_space<hbm>>) target(%arg6 : memref<32xi32, #tpu.memory_space<vmem>>) target_semaphore(%run_scoped3A : memref<!tpu.dma_semaphore, #tpu.memory_space<semaphore_mem>>)
      %dma_wait3A_126 = tpu.memref_slice %arg2[%add3A_110] : memref<8192xi32, #tpu.memory_space<hbm>> -> memref<32xi32, #tpu.memory_space<hbm>>
      %dma_wait3A_127 = tpu.memref_slice %arg2[%add3A_110] : memref<8192xi32, #tpu.memory_space<hbm>> -> memref<32xi32, #tpu.memory_space<hbm>>
      tpu.wait_dma2 semaphore(%run_scoped3A : memref<!tpu.dma_semaphore, #tpu.memory_space<semaphore_mem>>) src(%dma_wait3A_127 : memref<32xi32, #tpu.memory_space<hbm>>) dst(%arg6 : memref<32xi32, #tpu.memory_space<vmem>>)
      tpu.yield
    }) : () -> ()
    %dma_start3A_111 = arith.constant 0 : i32
    %dma_start3A_112 = arith.constant 0 : i32
    %dma_start3A_113 = tpu.memref_slice %arg3[%dma_start3A_111, %dma_start3A_112] : memref<100000x1024xf32, #tpu.memory_space<hbm>> -> memref<100000x1024xf32, #tpu.memory_space<hbm>>
    tpu.enqueue_indirect_dma source(%dma_start3A_113 : memref<100000x1024xf32, #tpu.memory_space<hbm>>) target(%arg8 : memref<32x1024xf32, #tpu.memory_space<vmem>>) offsets(%arg6 : memref<32xi32, #tpu.memory_space<vmem>>) semaphore(%arg9 : memref<!tpu.dma_semaphore, #tpu.memory_space<semaphore_mem>>)
    %dma_wait3A_114 = arith.constant 0 : i32
    %dma_wait3A_115 = arith.constant 0 : i32
    %dma_wait3A_116 = tpu.memref_slice %arg3[%dma_wait3A_114, %dma_wait3A_115] : memref<100000x1024xf32, #tpu.memory_space<hbm>> -> memref<100000x1024xf32, #tpu.memory_space<hbm>>
    tpu.wait_indirect_dma semaphore(%arg9 : memref<!tpu.dma_semaphore, #tpu.memory_space<semaphore_mem>>) src(%dma_wait3A_116 : memref<100000x1024xf32, #tpu.memory_space<hbm>>) dst(%arg8 : memref<32x1024xf32, #tpu.memory_space<vmem>>)
    %scan3A_117 = arith.constant 0 : i32
    %scan3A_118 = arith.constant 0 : i32
    %scan3A_119 = arith.constant 32 : i32
    %scan3A_120 = arith.addi %scan3A_118, %scan3A_119 : i32
    %scan3A_121 = arith.constant 1 : i32
    %scan3A_122 = scf.for %scan3A_124 = %scan3A_118 to %scan3A_120 step %scan3A_121 iter_args(%scan3A_125 = %scan3A_117) -> (i32)  : i32 {
      %scan3A_126 = arith.constant 0 : i32
      %scan3A_127 = arith.constant 0 : i32
      %scan3A_128 = arith.constant 64 : i32
      %scan3A_129 = arith.addi %scan3A_127, %scan3A_128 : i32
      %scan3A_130 = arith.constant 1 : i32
      %scan3A_131 = scf.for %scan3A_134 = %scan3A_127 to %scan3A_129 step %scan3A_130 iter_args(%scan3A_135 = %scan3A_126) -> (i32)  : i32 {
        %mul3A_136 = arith.constant 16 : i32
        %mul3A_137 = arith.muli %scan3A_134, %mul3A_136 : i32
        %get3A = arith.index_cast %scan3A_124 : i32 to index
        %get3A_138 = arith.index_cast %mul3A_137 : i32 to index
        %get3A_139 = tpu.vector_load %arg8[%get3A, %get3A_138] {strides = array<i32>} : memref<32x1024xf32, #tpu.memory_space<vmem>>, vector<1x16xf32>,
        %get3A_140 = vector.shape_cast %get3A_139 : vector<1x16xf32> to vector<16xf32>
        %mul3A_141 = arith.constant 3.200000e+01 : f32
        %mul3A_142 = vector.broadcast %mul3A_141 : f32 to vector<16xf32>
        %mul3A_143 = arith.mulf %get3A_140, %mul3A_142 : vector<16xf32>
        %get3A_144 = arith.index_cast %scan3A_124 : i32 to index
        %get3A_145 = arith.index_cast %mul3A_137 : i32 to index
        %get3A_146 = tpu.vector_load %arg7[%get3A_144, %get3A_145] {strides = array<i32>} : memref<32x1024xf32, #tpu.memory_space<vmem>>, vector<1x16xf32>,
        %get3A_147 = vector.shape_cast %get3A_146 : vector<1x16xf32> to vector<16xf32>
        %add3A_148 = arith.addf %mul3A_143, %get3A_147 : vector<16xf32>
        %swap3A = arith.index_cast %scan3A_124 : i32 to index
        %swap3A_149 = arith.index_cast %mul3A_137 : i32 to index
        %swap3A_150 = tpu.vector_load %arg8[%swap3A, %swap3A_149] {strides = array<i32>} : memref<32x1024xf32, #tpu.memory_space<vmem>>, vector<1x16xf32>,
        %swap3A_151 = vector.shape_cast %swap3A_150 : vector<1x16xf32> to vector<16xf32>
        %swap3A_152 = vector.shape_cast %add3A_148 : vector<16xf32> to vector<1x16xf32>
        tpu.vector_store %arg8[%swap3A, %swap3A_149], %swap3A_152 {strides = array<i32>} : memref<32x1024xf32, #tpu.memory_space<vmem>>, vector<1x16xf32>,
        %scan3A_153 = arith.constant 0 : i32
        scf.yield %scan3A_153 : i32
      }
      %scan3A_132 = arith.constant 64 : i32
      %scan3A_133 = arith.constant 0 : i32
      scf.yield %scan3A_133 : i32
    }
    %scan3A_123 = arith.constant 32 : i32
    "tpu.region"() ({
      %run_scoped3A = tpu.sem_alloc : memref<!tpu.dma_semaphore, #tpu.memory_space<semaphore_mem>>
      %dma_start3A_124 = arith.constant 0 : i32
      %dma_start3A_125 = tpu.memref_slice %arg5[%add3A_110, %dma_start3A_124] : memref<8192x1024xf32, #tpu.memory_space<hbm>> -> memref<32x1024xf32, #tpu.memory_space<hbm>>
      %dma_start3A_126 = arith.constant 0 : i32
      %dma_start3A_127 = tpu.memref_slice %arg5[%add3A_110, %dma_start3A_126] : memref<8192x1024xf32, #tpu.memory_space<hbm>> -> memref<32x1024xf32, #tpu.memory_space<hbm>>
      tpu.enqueue_dma source(%arg8 : memref<32x1024xf32, #tpu.memory_space<vmem>>) target(%dma_start3A_127 : memref<32x1024xf32, #tpu.memory_space<hbm>>) target_semaphore(%run_scoped3A : memref<!tpu.dma_semaphore, #tpu.memory_space<semaphore_mem>>)
      %dma_wait3A_128 = arith.constant 0 : i32
      %dma_wait3A_129 = tpu.memref_slice %arg5[%add3A_110, %dma_wait3A_128] : memref<8192x1024xf32, #tpu.memory_space<hbm>> -> memref<32x1024xf32, #tpu.memory_space<hbm>>
      %dma_wait3A_130 = arith.constant 0 : i32
      %dma_wait3A_131 = tpu.memref_slice %arg5[%add3A_110, %dma_wait3A_130] : memref<8192x1024xf32, #tpu.memory_space<hbm>> -> memref<32x1024xf32, #tpu.memory_space<hbm>>
      tpu.wait_dma2 semaphore(%run_scoped3A : memref<!tpu.dma_semaphore, #tpu.memory_space<semaphore_mem>>) src(%arg8 : memref<32x1024xf32, #tpu.memory_space<vmem>>) dst(%dma_wait3A_131 : memref<32x1024xf32, #tpu.memory_space<hbm>>)
      tpu.yield
    }) : () -> ()
    return
  }
}

</mosaic_0001>

<sc_bundles>
// kernel: _embed_sc.3.cloned.1.call-start
scs
__scs_entry_jumppad:
0x0: {  	(pc) =	sbr.rel $0x88, $3  }
0x1: {  	(tag) =	ssettag $0x0;
	lr =	simm.s32 $0x1  }
0x2: {  	[smem:$0x3F9E] =	sst lr;
	_ =	strace $0xD0000000  }
0x3: {  	_ = 	snop  }
0x4: {  	_ = 	snop  }
0x5: {  	_ = 	snop  }
0x6: {  	_ = 	snop  }
0x7: {  	_ = 	snop  }
__scs_overlays_trampoline_lowered:
0x8: {  	[smem:$0x3FAD] =	sst s0  }
0x9: {  	[smem:$0x3FAE] =	sst s1  }
0xa: {  	[smem:$0x3FAF] =	sst s2  }
0xb: {  	[smem:$0x3FB0] =	sst s3  }
0xc: {  	[smem:$0x3FB1] =	sst s4  }
0xd: {  	[smem:$0x3FB2] =	sst s5  }
0xe: {  	[smem:$0x3FB3] =	sst s6  }
0xf: {  	[smem:$0x3FB4] =	sst s7  }
0x10: {  	[smem:$0x3FB5] =	sst s8  }
0x11: {  	[smem:$0x3FB6] =	sst s9;
	s0 =	simm.s32 @!p0 $0x0  }
0x12: {  	s1 =	sld [smem:$0x3F9C];
	s0 =	simm.s32 @p0 $0x1  }
0x13: {  	[smem:$0x3FB7] =	sst s0;
	s0 =	simm.s32 @!p1 $0x0  }
0x14: {  	s2 =	sld [smem:$0x3F9B];
	s0 =	simm.s32 @p1 $0x1  }
0x15: {  	[smem:$0x3FB8] =	sst s0;
	s0 =	simm.s32 @!p2 $0x0  }
0x16: {  	s3 =	sld [smem:$0x3FDB];
	s0 =	simm.s32 @p2 $0x1  }
0x17: {  	s4 =	simm.s32 $0x1BF5;
	[smem:$0x3FBA] =	sst s0  }
0x18: {  	s0 =	sld [smem:$0x3F9D];
	_ =	swait.ge [sflag:s4], $0x0  }
0x19: {  	s7 =	sld [smem:$0x3F9E]  }
0x1a: {  	s8 =	sadd.s32 $0xFFFFE003, lr  }
0x1b: {  	s9 =	sadd.s32 $0xFFFFFEF7, lr;
	s5 =	simm.s32 $0xFFFFFFFF;
	p2 =	slt.u32 s8, $0xFFFFF086  }
0x1c: {  	p1 =	slt.u32 s9, $0xF7A;
	s5 =	simm.s32 @!p2 $0x0  }
0x1d: {  	s5 =	simm.s32 @p1 $0x1;
	p0 =	seq.s32 s7, s2  }
0x1e: {  	s7 =	smul.u32 @!p0 $0xF7A, s2;
	p2 =	seq.s32 @!p0 s5, $0x0  }
0x1f: {  	s9 =	smul.u32 $0xF7A, s1;
	s8 =	simm.s32 @!p0 $0x1BF5;
	p2 =	por !p2, p0  }
0x20: {  	[sflag:s8] =	ssyncset.s32 @!p0 $0xFFFFF086;
	s6 =	sadd.s32 @!p0 s3, s7;
	s7 =	simm.s32 @!p0 $0x108  }
0x21: {  	s3 =	sadd.s32 s3, s9;
	s6 =	sadd.s32 @!p0 $0x88, s6;
	s7 =	simm.s32 @p2 $0x1082  }
0x22: {  	[simem:s7], [sflag:s8] =	dma.local @!p0 [hbm:s6], $0xF7A  }
0x23: {  	s9 =	sor.u32 $0xD0000000, s2;
	s6 =	simm.s32 $0x108;
	_ =	swait.ge @!p0 [sflag:s8], $0x0  }
0x24: {  	s3 =	sadd.s32 $0x88, s3;
	s6 =	simm.s32 @!p1 $0x1082;
	[sflag:s4] =	ssyncset.s32 $0xFFFFF086  }
0x25: {  	[simem:s6], [sflag:s4] =	dma.local [hbm:s3], $0xF7A  }
0x26: {  	[smem:$0x3F9E] =	sst s1;
	(tag) =	ssettag s2;
	_ =	strace s9  }
0x27: {  	s1 =	sld [smem:$0x3FAE]  }
0x28: {  	s2 =	sld [smem:$0x3FAF]  }
0x29: {  	s4 =	sld [smem:$0x3FB1]  }
0x2a: {  	p0 =	seq.s32 s5, $0x0;
	s5 =	sld [smem:$0x3FB2]  }
0x2b: {  	s6 =	sld [smem:$0x3FB3]  }
0x2c: {  	s7 =	sld [smem:$0x3FB4]  }
0x2d: {  	s3 =	simm.s32 $0x108;
	s8 =	sld [smem:$0x3FB5]  }
0x2e: {  	s3 =	simm.s32 @!p0 $0x1082;
	s9 =	sld [smem:$0x3FB6]  }
0x2f: {  	lr =	sadd.s32 s0, s3;
	s0 =	sld [smem:$0x3FAD]  }
0x30: {  	s3 =	sld [smem:$0x3FB0]  }
0x31: {  	[smem:$0x3FB9] =	sst s10  }
0x32: {  	s10 =	sld [smem:$0x3FB7];
	_ =	sdelay $0x3  }
0x33: {  	p0 =	seq.s32 s10, $0x1;
	s10 =	sld [smem:$0x3FB9];
	_ =	sdelay $0x3  }
0x34: {  	[smem:$0x3FB9] =	sst s10  }
0x35: {  	s10 =	sld [smem:$0x3FB8];
	_ =	sdelay $0x3  }
0x36: {  	p1 =	seq.s32 s10, $0x1;
	s10 =	sld [smem:$0x3FB9];
	_ =	sdelay $0x3  }
0x37: {  	[smem:$0x3FB9] =	sst s10  }
0x38: {  	s10 =	sld [smem:$0x3FBA]  }
0x39: {  	_ = 	snop;
	(pc) =	sbr.ind lr, $3  }
0x3a: {  	_ = 	snop  }
0x3b: {  	_ = 	snop  }
0x3c: {  	p2 =	seq.s32 s10, $0x1;
	s10 =	sld [smem:$0x3FB9]  }
0x3d: {  	_ =	shalt  }
0x3e: {  	_ =	shalt  }
0x3f: {  	_ =	shalt  }
0x40: {  	_ =	shalt  }
0x41: {  	_ =	shalt  }
0x42: {  	_ =	shalt  }
0x43: {  	_ =	shalt  }
0x44: {  	_ =	shalt  }
0x45: {  	_ =	shalt  }
0x46: {  	_ =	shalt  }
0x47: {  	_ =	shalt  }
0x48: {  	_ =	shalt  }
0x49: {  	_ =	shalt  }
0x4a: {  	_ =	shalt  }
0x4b: {  	_ =	shalt  }
0x4c: {  	_ =	shalt  }
0x4d: {  	_ =	shalt  }
0x4e: {  	_ =	shalt  }
0x4f: {  	_ =	shalt  }
0x50: {  	_ =	shalt  }
0x51: {  	_ =	shalt  }
0x52: {  	_ =	shalt  }
0x53: {  	_ =	shalt  }
0x54: {  	_ =	shalt  }
0x55: {  	_ =	shalt  }
0x56: {  	_ =	shalt  }
0x57: {  	_ =	shalt  }
0x58: {  	_ =	shalt  }
0x59: {  	_ =	shalt  }
0x5a: {  	_ =	shalt  }
0x5b: {  	_ =	shalt  }
0x5c: {  	_ =	shalt  }
0x5d: {  	_ =	shalt  }
0x5e: {  	_ =	shalt  }
0x5f: {  	_ =	shalt  }
0x60: {  	_ =	shalt  }
0x61: {  	_ =	shalt  }
0x62: {  	_ =	shalt  }
0x63: {  	_ =	shalt  }
0x64: {  	_ =	shalt  }
0x65: {  	_ =	shalt  }
0x66: {  	_ =	shalt  }
0x67: {  	_ =	shalt  }
0x68: {  	_ =	shalt  }
0x69: {  	_ =	shalt  }
0x6a: {  	_ =	shalt  }
0x6b: {  	_ =	shalt  }
0x6c: {  	_ =	shalt  }
0x6d: {  	_ =	shalt  }
0x6e: {  	_ =	shalt  }
0x6f: {  	_ =	shalt  }
0x70: {  	_ =	shalt  }
0x71: {  	_ =	shalt  }
0x72: {  	_ =	shalt  }
0x73: {  	_ =	shalt  }
0x74: {  	_ =	shalt  }
0x75: {  	_ =	shalt  }
0x76: {  	_ =	shalt  }
0x77: {  	_ =	shalt  }
0x78: {  	_ =	shalt  }
0x79: {  	_ =	shalt  }
0x7a: {  	_ =	shalt  }
0x7b: {  	_ =	shalt  }
0x7c: {  	_ =	shalt  }
0x7d: {  	_ =	shalt  }
0x7e: {  	_ =	shalt  }
0x7f: {  	_ =	shalt  }
0x80: {  	_ =	shalt  }
0x81: {  	_ =	shalt  }
0x82: {  	_ =	shalt  }
0x83: {  	_ =	shalt  }
0x84: {  	_ =	shalt  }
0x85: {  	_ =	shalt  }
0x86: {  	_ =	shalt  }
0x87: {  	_ =	shalt  }
.Lfunc_end0:
.L_simem_size_0:
called_computation_lowered:
.L_overlay_start_0:
0x88: {  	s2 =	sld [smem:$0x3FD9]  }
0x89: {  	s3 =	sld [smem:$0x3FFE];
	_ =	sdelay $0x1  }
0x8a: {  	s1 =	srdreg.scid  }
0x8b: {  	s0 =	sand.u32 $0x1, s1  }
0x8c: {  	s18 =	sshll.u32 s0, $0xA;
	s2 =	sadd.s32 s3, s2  }
0x8d: {  	s2 =	sadd.s32 s2, s18  }
0x8e: {  	[smem:$0x3FC5] =	sst s2  }
0x8f: {  	_ = 	snop  }
0x90: {  	s2 =	sld [smem:$0x3FC9]  }
0x91: {  	s19 =	sld [smem:$0x3FC8]  }
0x92: {  	s4 =	sld [smem:$0x3FC7]  }
0x93: {  	s5 =	sld [smem:$0x3FD0];
	(tm) =	ssettm $0x1  }
0x94: {  	s6 =	sld [smem:$0x3FFB];
	_ =	sdelay $0x3  }
0x95: {  	_ =	strace s6  }
0x96: {  	s6 =	sld [smem:$0x3FFC];
	_ =	sdelay $0x3  }
0x97: {  	_ =	strace s6  }
0x98: {  	s6 =	sld [smem:$0x3FFD];
	_ =	sdelay $0x3  }
0x99: {  	_ =	strace s6  }
0x9a: {  	_ =	strace $0x8FFFFFFF  }
0x9b: {  	s20 =	sld [smem:$0x3FDB];
	_ =	sdelay $0x1  }
0x9c: {  	s7 =	simm.s32 $_scs_section_size  }
0x9d: {  	s8 =	simm.s32 $_size__tile_overlayer_lowered;
	s9 =	simm.s32 $_tile_overlayer_lowered  }
0x9e: {  	s23 =	simm.s32 $0x1BFF;
	s22 =	sshll.u32 s9, $0x1;
	s6 =	sadd.s32 s7, s20  }
0x9f: {  	s10 =	simm.s32 $0x0;
	s21 =	sshll.u32 s8, $0x1;
	s8 =	sadd.s32 s22, s6  }
0xa0: {  	[timem:s10], [sflag:s23] =	dma.local [hbm:s8], s21  }
0xa1: {  	_ =	swait.ge [sflag:s23], s21  }
0xa2: {  	s7 =	ssub.s32 $0x0, s21;
	[sflag:s23] =	ssyncset.done $0x0  }
0xa3: {  	[sflag:s23] =	ssyncadd.s32 s7;
	_ =	sdelay $0x1  }
0xa4: {  	s24 =	simm.s32 $0x1B8B  }
0xa5: {  	_ =	swait.ge [sflag:s24], $0x1  }
0xa6: {  	[sflag:s24] =	ssyncset.done $0x0  }
0xa7: {  	s25 =	simm.s32 $0x1B8E;
	[sflag:s24] =	ssyncadd.s32 $0xFFFFFFFF  }
0xa8: {  	s26 =	simm.s32 $execute0_lowered;
	[smem:$0x3FD2] =	sst s25  }
0xa9: {  	s7 =	sshll.u32 s26, $0x1;
	_ =	strace $0x80000046;
	[dreg:$0x1] =	wrdreg $0xFFFFFFFF  }
0xaa: {  	s28 =	simm.s32 $_size_execute0_lowered;
	s6 =	sadd.s32 s6, s7;
	[dreg:$0x0] =	wrdreg $0x0  }
0xab: {  	s7 =	sshll.u32 s28, $0x1;
	[dreg:$0x2] =	wrdreg s6  }
0xac: {  	[dreg:$0x3] =	wrdreg s7  }
0xad: {  	[dreg:$0x4] =	wrdreg $0xC0  }
0xae: {  	_ =	task [dreg:s10], $0x5FFFF  }
0xaf: {  	[dreg:$0x1] =	wrdreg $0xFFFFFFFF  }
0xb0: {  	[dreg:$0x0] =	wrdreg $0x60  }
0xb1: {  	[dreg:$0x2] =	wrdreg s2  }
0xb2: {  	[dreg:$0x3] =	wrdreg s19  }
0xb3: {  	[dreg:$0x4] =	wrdreg s4  }
0xb4: {  	[dreg:$0x5] =	wrdreg s5  }
0xb5: {  	[dreg:$0x6] =	wrdreg $0x9  }
0xb6: {  	_ =	task.clear_ibuf [dreg:s10], $0x7FFFF;
	_ =	strace $0x90000046  }
0xb7: {  	s29 =	simm.s32 $0x9;
	_ =	strace $0x80000048  }
0xb8: {  	_ =	swait.ge [sflag:s29], $0x1  }
0xb9: {  	[sflag:s29] =	ssyncadd.s32 $0xFFFFFFFF  }
0xba: {  	_ =	strace $0x90000048  }
0xbb: {  	_ =	sfence  }
0xbc: {  	s30 =	sld [smem:$0x0];
	_ =	sdelay $0x2  }
0xbd: {  	s31 =	sshll.u32 s1, $0xD;
	s1 =	sshrl.u32 s1, $0x2  }
0xbe: {  	s3 =	sand.u32 $0x4000, s31;
	s1 =	sadd.s32 s1, s30  }
0xbf: {  	s0 =	sor.u32 s3, s0;
	s1 =	sshll.u32 s1, $0x11  }
0xc0: {  	s0 =	sor.u32 s1, s0  }
0xc1: {  	s0 =	sadd.s32 $0x8F2B, s0  }
0xc2: {  	[sflag:s0] =	ssyncadd.remote.s32 $0x1  }
0xc3: {  	_ =	sfence.sel $0xFFFF  }
0xc4: {  	[dreg:$0x0] =	wrdreg $0xFFFFFFFF;
	(pc) =	sbr.abs _section_cstart, $3  }
0xc5: {  	[dreg:$0x1] =	wrdreg $0xFFFFFFFF  }
0xc6: {  	_ =	task.clear_ibuf [dreg:s10], $0x2FFFF;
	_ =	strace $0x9FFFFFFF  }
0xc7: {  	(tm) =	ssettm $0x7FFFFFFF  }
tec
execute0_lowered:
.L_overlay_start_1:
0x0: {  	(tag) =	ssettag $0x1  }
0x1: {  	s0 =	rddreg [dreg:$0x0]  }
0x2: {  	s1 =	rddreg [dreg:$0x1]  }
0x3: {  	s2 =	rddreg [dreg:$0x2]  }
0x4: {  	s4 =	rddreg [dreg:$0x3];
	s3 =	simm.s32 $0x0  }
0x5: {  	s5 =	srdreg.scid;
	s7 =	stileid.u32;
	s28 =	simm.s32 $0x2  }
0x6: {  	s29 =	simm.s32 $0x8080;
	s31 =	simm.s32 $0x9080;
	s5 =	sand.u32 $0x1, s5  }
0x7: {  	s7 =	sshll.u32 s7, $0x7;
	s6 =	ssub.s32 $0x2, s5;
	s5 =	sshll.u32 s5, $0x6  }
0x8: {  	[smem:$0x7FF] =	sst s3;
	s8 =	sshrl.u32 s6, $0x1;
	s5 =	sor.u32 s5, s7  }
0x9: {  	_ =	strace $0x80000047;
	s7 =	ssub.s32 s6, s8;
	s19 =	sshll.u32 s5, $0x7  }
0xa: {  	s9 =	sor.u32 $0x800, s5;
	s21 =	sshrl.u32 s5, $0x3;
	s22 =	sor.u32 $0x1000, s5  }
0xb: {  	s11 =	sor.u32 $0x1800, s5;
	s12 =	sor.u32 $0x20, s5;
	s25 =	sor.u32 $0x820, s5  }
0xc: {  	s26 =	sor.u32 $0x1020, s5;
	s5 =	sor.u32 $0x1820, s5;
	s8 =	simm.s32 $0xC080  }
0xd: {  	s20 =	sadd.s32 s2, s19;
	s10 =	sshrl.u32 s9, $0x3;
	s6 =	sadd.s32 s0, s21  }
0xe: {  	s13 =	sshrl.u32 s22, $0x3;
	s14 =	sshrl.u32 s11, $0x3;
	s15 =	sshrl.u32 s12, $0x3  }
0xf: {  	s30 =	sshrl.u32 s25, $0x3;
	s16 =	sshrl.u32 s26, $0x3;
	s17 =	sshrl.u32 s5, $0x3  }
0x10: {  	s18 =	sshll.u32 s9, $0x7;
	s9 =	simm.s32 $0xC880;
	[dreg:$0x5] =	wrdreg s20  }
0x11: {  	[dreg:$0x6] =	wrdreg s6;
	s6 =	sadd.s32 $0x100, s1;
	s10 =	sadd.s32 s0, s10  }
0x12: {  	s13 =	sadd.s32 s0, s13;
	s23 =	sadd.s32 s0, s14;
	[dreg:$0x7] =	wrdreg s10  }
0x13: {  	s24 =	sadd.s32 s0, s15;
	s14 =	sadd.s32 s0, s30;
	[dreg:$0x8] =	wrdreg s13  }
0x14: {  	s16 =	sadd.s32 s0, s16;
	s0 =	sadd.s32 s0, s17;
	[dreg:$0x9] =	wrdreg s23  }
0x15: {  	s17 =	sadd.s32 s4, s19;
	s19 =	sshll.u32 s22, $0x7;
	[dreg:$0xa] =	wrdreg s24  }
0x16: {  	s20 =	sshll.u32 s11, $0x7;
	s22 =	sshll.u32 s12, $0x7;
	[dreg:$0xb] =	wrdreg s14  }
0x17: {  	s30 =	smax.u32 s7, $0x1;
	s7 =	simm.s32 $0xB880;
	[dreg:$0xc] =	wrdreg s16  }
0x18: {  	s11 =	simm.s32 $0xD880;
	s12 =	simm.s32 $0xE080;
	[dreg:$0xd] =	wrdreg s0  }
0x19: {  	s15 =	simm.s32 $0xF080;
	s14 =	sadd.s32 $0x200, s1;
	[dreg:$0xe] =	wrdreg s17  }
0x1a: {  	s0 =	sadd.s32 s4, s18;
	s21 =	sadd.s32 s4, s20;
	s2 =	sadd.s32 s2, s22  }
0x1b: {  	s23 =	sshll.u32 s25, $0x7;
	s24 =	sshll.u32 s26, $0x7;
	[dreg:$0x17] =	wrdreg s30  }
0x1c: {  	s25 =	sshll.u32 s5, $0x7;
	s5 =	simm.s32 $0xB080;
	[dreg:$0xf] =	wrdreg s0  }
0x1d: {  	s10 =	simm.s32 $0xD080;
	s13 =	simm.s32 $0xE880;
	[dreg:$0x11] =	wrdreg s21  }
0x1e: {  	s16 =	simm.s32 $0xF880;
	s0 =	sadd.s32 s4, s19;
	[dreg:$0x12] =	wrdreg s2  }
0x1f: {  	s17 =	simm.s32 $0x0;
	s26 =	sadd.s32 s4, s25;
	[dreg:$0x10] =	wrdreg s0  }
0x20: {  	s2 =	simm.s32 $0xA080;
	s0 =	sadd.s32 s4, s22;
	[dreg:$0x16] =	wrdreg s26  }
0x21: {  	v2 =	vlaneseq.u32;
	s26 =	simm.s32 $0x1;
	[dreg:$0x13] =	wrdreg s0;
	s0 =	sadd.s32 s4, s23  }
0x22: {  	vm0 =	vmmov $0xffff;
	v1 =	vshrl.u32 v2, $0x3;
	[dreg:$0x14] =	wrdreg s0;
	s0 =	sadd.s32 s4, s24;
	s24 =	sadd.s32 $0x300, s1  }
0x23: {  	v0 =	vand.u32 $0x7, v2;
	v2 =	vor.u32 $0x8, v2;
	v1 =	vmul.u32 $0x8, v1;
	s4 =	simm.s32 $0xA880;
	[dreg:$0x15] =	wrdreg s0;
	s0 =	simm.s32 $0x9880  }
.LBB2_1:
0x24: {  	s18 =	rddreg [dreg:$0x5];
	s19 =	simm.s32 $0x80  }
0x25: {  	[tilespmem:s19], [sflag:$0x2] =	stream.linear.gather [hbm4b:s18+s3], $0x8000, $0x38;
	[tilespmem:$0x10080] =	vst v63  }
0x26: {  	_ =	swait.ge [sflag:s28], $0x8000  }
0x27: {  	[sflag:s28] =	ssyncset.done $0x0  }
0x28: {  	s25 =	rddreg [dreg:$0x6];
	[sflag:s28] =	ssyncadd.s32 $0xFFFF8000  }
0x29: {  	[tilespmem:s3], [sflag:$0x2] =	stream.linear.gather [hbm4b:s25+s3], $0x20, $0x38;
	[tilespmem:$0x10080] =	vst v63  }
0x2a: {  	_ =	swait.ge [sflag:s28], $0x20  }
0x2b: {  	[sflag:s28] =	ssyncset.done $0x0  }
0x2c: {  	[sflag:s28] =	ssyncadd.s32 $0xFFFFFFE0  }
0x2d: {  	v3 =	vld [tilespmem:$0x0];
	_ =	sdelay $0x4  }
0x2e: {  	v4 =	vshll.u32 v3, $0x3  }
0x2f: {  	v3 =	vand.u32 $0x7, v3;
	v4 =	vand.u32 $0xFFFFFFC0, v4  }
0x30: {  	v3 =	vor.u32 v3, v4  }
0x31: {  	v4 =	vperm.xlane v3, v0;
	_ =	sdelay $0x1  }
0x32: {  	v4 =	vadd.s32 v1, v4;
	_ =	sdelay $0x4  }
0x33: {  	[tilespmem:s29], [sflag:$0x1] =	stream.indirect_vreg.gather [hbm4b:s1+s3], $0x80, v4, vm0, $0xb8;
	[tilespmem:$0x10080] =	vst v63  }
0x34: {  	s30 =	simm.s32 $0x8880;
	v3 =	vperm.xlane v3, v2  }
0x35: {  	[tilespmem:s30], [sflag:$0x1] =	stream.indirect_vreg.gather [hbm4b:s6+s3], $0x80, v4, vm0, $0xb8;
	[tilespmem:$0x10080] =	vst v63  }
0x36: {  	v3 =	vadd.s32 v1, v3  }
0x37: {  	[tilespmem:s31], [sflag:$0x1] =	stream.indirect_vreg.gather [hbm4b:s14+s3], $0x80, v4, vm0, $0xb8;
	[tilespmem:$0x10080] =	vst v63  }
0x38: {  	_ = 	snop  }
0x39: {  	[tilespmem:s0], [sflag:$0x1] =	stream.indirect_vreg.gather [hbm4b:s24+s3], $0x80, v4, vm0, $0xb8;
	[tilespmem:$0x10080] =	vst v63  }
0x3a: {  	_ = 	snop  }
0x3b: {  	[tilespmem:s2], [sflag:$0x1] =	stream.indirect_vreg.gather [hbm4b:s1+s3], $0x80, v3, vm0, $0xb8;
	[tilespmem:$0x10080] =	vst v63  }
0x3c: {  	_ = 	snop  }
0x3d: {  	[tilespmem:s4], [sflag:$0x1] =	stream.indirect_vreg.gather [hbm4b:s6+s3], $0x80, v3, vm0, $0xb8;
	[tilespmem:$0x10080] =	vst v63  }
0x3e: {  	_ = 	snop  }
0x3f: {  	[tilespmem:s5], [sflag:$0x1] =	stream.indirect_vreg.gather [hbm4b:s14+s3], $0x80, v3, vm0, $0xb8;
	[tilespmem:$0x10080] =	vst v63  }
0x40: {  	_ = 	snop  }
0x41: {  	[tilespmem:s7], [sflag:$0x1] =	stream.indirect_vreg.gather [hbm4b:s24+s3], $0x80, v3, vm0, $0xb8;
	[tilespmem:$0x10080] =	vst v63  }
0x42: {  	v3 =	vld [tilespmem:$0x10];
	_ =	sdelay $0x4  }
0x43: {  	v63 =	vshll.u32 v3, $0x3  }
0x44: {  	v3 =	vand.u32 $0x7, v3;
	v4 =	vand.u32 $0xFFFFFFC0, v63  }
0x45: {  	v3 =	vor.u32 v3, v4  }
0x46: {  	v4 =	vperm.xlane v3, v0;
	_ =	sdelay $0x1  }
0x47: {  	v4 =	vadd.s32 v1, v4;
	_ =	sdelay $0x4  }
0x48: {  	[tilespmem:s8], [sflag:$0x1] =	stream.indirect_vreg.gather [hbm4b:s1+s3], $0x80, v4, vm0, $0xb8;
	[tilespmem:$0x10080] =	vst v63  }
0x49: {  	v3 =	vperm.xlane v3, v2  }
0x4a: {  	[tilespmem:s9], [sflag:$0x1] =	stream.indirect_vreg.gather [hbm4b:s6+s3], $0x80, v4, vm0, $0xb8;
	[tilespmem:$0x10080] =	vst v63  }
0x4b: {  	v3 =	vadd.s32 v1, v3  }
0x4c: {  	[tilespmem:s10], [sflag:$0x1] =	stream.indirect_vreg.gather [hbm4b:s14+s3], $0x80, v4, vm0, $0xb8;
	[tilespmem:$0x10080] =	vst v63  }
0x4d: {  	_ = 	snop  }
0x4e: {  	[tilespmem:s11], [sflag:$0x1] =	stream.indirect_vreg.gather [hbm4b:s24+s3], $0x80, v4, vm0, $0xb8;
	[tilespmem:$0x10080] =	vst v63  }
0x4f: {  	_ = 	snop  }
0x50: {  	[tilespmem:s12], [sflag:$0x1] =	stream.indirect_vreg.gather [hbm4b:s1+s3], $0x80, v3, vm0, $0xb8;
	[tilespmem:$0x10080] =	vst v63  }
0x51: {  	_ = 	snop  }
0x52: {  	[tilespmem:s13], [sflag:$0x1] =	stream.indirect_vreg.gather [hbm4b:s6+s3], $0x80, v3, vm0, $0xb8;
	[tilespmem:$0x10080] =	vst v63  }
0x53: {  	_ = 	snop  }
0x54: {  	[tilespmem:s15], [sflag:$0x1] =	stream.indirect_vreg.gather [hbm4b:s14+s3], $0x80, v3, vm0, $0xb8;
	[tilespmem:$0x10080] =	vst v63  }
0x55: {  	_ = 	snop  }
0x56: {  	[tilespmem:s16], [sflag:$0x1] =	stream.indirect_vreg.gather [hbm4b:s24+s3], $0x80, v3, vm0, $0xb8;
	[tilespmem:$0x10080] =	vst v63  }
0x57: {  	_ =	swait.ge [sflag:s26], $0x8000  }
0x58: {  	[sflag:s26] =	ssyncset.done $0x0  }
0x59: {  	s18 =	simm.s32 $0x0;
	[sflag:s26] =	ssyncadd.s32 $0xFFFF8000  }
.LBB2_2:
0x5a: {  	s19 =	sshll.u32 s18, $0xA;
	s20 =	sshll.u32 s18, $0x7  }
0x5b: {  	s21 =	simm.s32 $0x0;
	s19 =	sand.u32 $0x6000, s19;
	s20 =	sand.u32 $0x380, s20  }
0x5c: {  	s30 =	sand.u32 $0x1C00, s21;
	s19 =	sor.u32 s19, s20  }
0x5d: {  	s21 =	sand.u32 $0x70, s21;
	s20 =	sor.u32 s30, s19  }
0x5e: {  	s20 =	sor.u32 s21, s20  }
0x5f: {  	v3 =	vld [tilespmem:s20+$0x8080];
	_ =	sdelay $0x1  }
0x60: {  	v4 =	vld [tilespmem:s20+$0x80];
	_ =	sdelay $0x2  }
0x61: {  	v3 =	vmul.f32 $3.200000000e+01, v3  }
0x62: {  	s21 =	simm.s32 $0x80  }
0x63: {  	s23 =	simm.s32 $0x10;
	s22 =	simm.s32 $0x20;
	s25 =	sand.u32 $0x1C00, s21;
	v3 =	vadd.f32 v4, v3  }
.LBB2_3:
0x64: {  	p0 =	sne.s32 s22, $0x3F0;
	s23 =	sand.u32 $0x70, s23;
	s25 =	sor.u32 s25, s19  }
0x65: {  	[tilespmem:s20+$0x8080] =	vst v3;
	s20 =	sor.u32 s23, s25;
	s23 =	smov.u32 s22  }
0x66: {  	v3 =	vld [tilespmem:s20+$0x8080];
	_ =	sdelay $0x1  }
0x67: {  	v4 =	vld [tilespmem:s20+$0x80]  }
.Ltmp0:
0x68: {  	(pc) =	sbr.rel @p0 .LBB2_3-.Ltmp0, $4  }
0x69: {  	_ = 	snop  }
0x6a: {  	v3 =	vmul.f32 $3.200000000e+01, v3  }
0x6b: {  	s21 =	sadd.s32 $0x80, s21  }
0x6c: {  	s25 =	sand.u32 $0x1C00, s21;
	s22 =	sadd.s32 $0x10, s22;
	v3 =	vadd.f32 v4, v3  }
0x6d: {  	s21 =	sand.u32 $0x70, s23;
	s19 =	sor.u32 s25, s19  }
0x6e: {  	s19 =	sor.u32 s21, s19;
	[tilespmem:s20+$0x8080] =	vst v3  }
0x6f: {  	v3 =	vld [tilespmem:s19+$0x8080];
	_ =	sdelay $0x1  }
0x70: {  	v4 =	vld [tilespmem:s19+$0x80]  }
0x71: {  	s18 =	sadd.s32 $0x1, s18  }
0x72: {  	p0 =	sne.s32 s18, $0x20  }
.Ltmp1:
0x73: {  	v3 =	vmul.f32 $3.200000000e+01, v3;
	(pc) =	sbr.rel @p0 .LBB2_2-.Ltmp1, $3  }
0x74: {  	_ = 	snop  }
0x75: {  	v3 =	vadd.f32 v4, v3;
	_ =	sdelay $0x1  }
0x76: {  	[tilespmem:s19+$0x8080] =	vst v3  }
0x77: {  	s18 =	simm.s32 $0x0;
	s19 =	rddreg [dreg:$0xe]  }
0x78: {  	[hbm4b:s19+s18] =	stream.linear.scatter [tilespmem:s29], [sflag:$0x2], $0x8000, $0x38;
	[tilespmem:$0x10080] =	vst v63  }
0x79: {  	_ =	swait.ge [sflag:s28], $0x8000  }
0x7a: {  	[sflag:s28] =	ssyncset.done $0x0  }
0x7b: {  	s25 =	rddreg [dreg:$0x7];
	[sflag:s28] =	ssyncadd.s32 $0xFFFF8000  }
0x7c: {  	[tilespmem:s18], [sflag:$0x2] =	stream.linear.gather [hbm4b:s25+s18], $0x20, $0x38;
	[tilespmem:$0x10080] =	vst v63  }
0x7d: {  	_ =	swait.ge [sflag:s28], $0x20  }
0x7e: {  	[sflag:s28] =	ssyncset.done $0x0  }
0x7f: {  	[sflag:s28] =	ssyncadd.s32 $0xFFFFFFE0  }
0x80: {  	v3 =	vld [tilespmem:$0x0];
	_ =	sdelay $0x4  }
0x81: {  	v4 =	vshll.u32 v3, $0x3  }
0x82: {  	v3 =	vand.u32 $0x7, v3;
	v4 =	vand.u32 $0xFFFFFFC0, v4  }
0x83: {  	v3 =	vor.u32 v3, v4  }
0x84: {  	v4 =	vperm.xlane v3, v0;
	_ =	sdelay $0x1  }
0x85: {  	v4 =	vadd.s32 v1, v4;
	_ =	sdelay $0x4  }
0x86: {  	[tilespmem:s29], [sflag:$0x1] =	stream.indirect_vreg.gather [hbm4b:s1+s18], $0x80, v4, vm0, $0xb8;
	[tilespmem:$0x10080] =	vst v63  }
0x87: {  	s30 =	simm.s32 $0x8880;
	v3 =	vperm.xlane v3, v2  }
0x88: {  	[tilespmem:s30], [sflag:$0x1] =	stream.indirect_vreg.gather [hbm4b:s6+s18], $0x80, v4, vm0, $0xb8;
	[tilespmem:$0x10080] =	vst v63  }
0x89: {  	v3 =	vadd.s32 v1, v3  }
0x8a: {  	[tilespmem:s31], [sflag:$0x1] =	stream.indirect_vreg.gather [hbm4b:s14+s18], $0x80, v4, vm0, $0xb8;
	[tilespmem:$0x10080] =	vst v63  }
0x8b: {  	_ = 	snop  }
0x8c: {  	[tilespmem:s0], [sflag:$0x1] =	stream.indirect_vreg.gather [hbm4b:s24+s18], $0x80, v4, vm0, $0xb8;
	[tilespmem:$0x10080] =	vst v63  }
0x8d: {  	_ = 	snop  }
0x8e: {  	[tilespmem:s2], [sflag:$0x1] =	stream.indirect_vreg.gather [hbm4b:s1+s18], $0x80, v3, vm0, $0xb8;
	[tilespmem:$0x10080] =	vst v63  }
0x8f: {  	_ = 	snop  }
0x90: {  	[tilespmem:s4], [sflag:$0x1] =	stream.indirect_vreg.gather [hbm4b:s6+s18], $0x80, v3, vm0, $0xb8;
	[tilespmem:$0x10080] =	vst v63  }
0x91: {  	_ = 	snop  }
0x92: {  	[tilespmem:s5], [sflag:$0x1] =	stream.indirect_vreg.gather [hbm4b:s14+s18], $0x80, v3, vm0, $0xb8;
	[tilespmem:$0x10080] =	vst v63  }
0x93: {  	_ = 	snop  }
0x94: {  	[tilespmem:s7], [sflag:$0x1] =	stream.indirect_vreg.gather [hbm4b:s24+s18], $0x80, v3, vm0, $0xb8;
	[tilespmem:$0x10080] =	vst v63  }
0x95: {  	v3 =	vld [tilespmem:$0x10];
	_ =	sdelay $0x4  }
0x96: {  	v63 =	vshll.u32 v3, $0x3  }
0x97: {  	v3 =	vand.u32 $0x7, v3;
	v4 =	vand.u32 $0xFFFFFFC0, v63  }
0x98: {  	v3 =	vor.u32 v3, v4  }
0x99: {  	v4 =	vperm.xlane v3, v0;
	_ =	sdelay $0x1  }
0x9a: {  	v4 =	vadd.s32 v1, v4;
	_ =	sdelay $0x4  }
0x9b: {  	[tilespmem:s8], [sflag:$0x1] =	stream.indirect_vreg.gather [hbm4b:s1+s18], $0x80, v4, vm0, $0xb8;
	[tilespmem:$0x10080] =	vst v63  }
0x9c: {  	v3 =	vperm.xlane v3, v2  }
0x9d: {  	[tilespmem:s9], [sflag:$0x1] =	stream.indirect_vreg.gather [hbm4b:s6+s18], $0x80, v4, vm0, $0xb8;
	[tilespmem:$0x10080] =	vst v63  }
0x9e: {  	v3 =	vadd.s32 v1, v3  }
0x9f: {  	[tilespmem:s10], [sflag:$0x1] =	stream.indirect_vreg.gather [hbm4b:s14+s18], $0x80, v4, vm0, $0xb8;
	[tilespmem:$0x10080] =	vst v63  }
0xa0: {  	_ = 	snop  }
0xa1: {  	[tilespmem:s11], [sflag:$0x1] =	stream.indirect_vreg.gather [hbm4b:s24+s18], $0x80, v4, vm0, $0xb8;
	[tilespmem:$0x10080] =	vst v63  }
0xa2: {  	_ = 	snop  }
0xa3: {  	[tilespmem:s12], [sflag:$0x1] =	stream.indirect_vreg.gather [hbm4b:s1+s18], $0x80, v3, vm0, $0xb8;
	[tilespmem:$0x10080] =	vst v63  }
0xa4: {  	_ = 	snop  }
0xa5: {  	[tilespmem:s13], [sflag:$0x1] =	stream.indirect_vreg.gather [hbm4b:s6+s18], $0x80, v3, vm0, $0xb8;
	[tilespmem:$0x10080] =	vst v63  }
0xa6: {  	_ = 	snop  }
0xa7: {  	[tilespmem:s15], [sflag:$0x1] =	stream.indirect_vreg.gather [hbm4b:s14+s18], $0x80, v3, vm0, $0xb8;
	[tilespmem:$0x10080] =	vst v63  }
0xa8: {  	_ = 	snop  }
0xa9: {  	[tilespmem:s16], [sflag:$0x1] =	stream.indirect_vreg.gather [hbm4b:s24+s18], $0x80, v3, vm0, $0xb8;
	[tilespmem:$0x10080] =	vst v63  }
0xaa: {  	_ =	swait.ge [sflag:s26], $0x8000  }
0xab: {  	[sflag:s26] =	ssyncset.done $0x0  }
0xac: {  	s19 =	simm.s32 $0x0;
	[sflag:s26] =	ssyncadd.s32 $0xFFFF8000  }
.LBB2_6:
0xad: {  	s20 =	sshll.u32 s19, $0xA;
	s21 =	sshll.u32 s19, $0x7  }
0xae: {  	s20 =	sand.u32 $0x6000, s20;
	s21 =	sand.u32 $0x380, s21  }
0xaf: {  	s25 =	sand.u32 $0x1C00, s18;
	s20 =	sor.u32 s20, s21  }
0xb0: {  	s22 =	sand.u32 $0x70, s18;
	s21 =	sor.u32 s25, s20  }
0xb1: {  	s21 =	sor.u32 s22, s21  }
0xb2: {  	v3 =	vld [tilespmem:s21+$0x8080];
	_ =	sdelay $0x1  }
0xb3: {  	v4 =	vld [tilespmem:s21+$0x80];
	_ =	sdelay $0x2  }
0xb4: {  	v3 =	vmul.f32 $3.200000000e+01, v3  }
0xb5: {  	s22 =	simm.s32 $0x80  }
0xb6: {  	s23 =	simm.s32 $0x20;
	s25 =	simm.s32 $0x10;
	s30 =	sand.u32 $0x1C00, s22;
	v3 =	vadd.f32 v4, v3  }
.LBB2_7:
0xb7: {  	p0 =	sne.s32 s23, $0x3F0;
	s25 =	sand.u32 $0x70, s25;
	s30 =	sor.u32 s30, s20  }
0xb8: {  	[tilespmem:s21+$0x8080] =	vst v3;
	s21 =	sor.u32 s25, s30;
	s25 =	smov.u32 s23  }
0xb9: {  	v3 =	vld [tilespmem:s21+$0x8080];
	_ =	sdelay $0x1  }
0xba: {  	v4 =	vld [tilespmem:s21+$0x80]  }
.Ltmp2:
0xbb: {  	(pc) =	sbr.rel @p0 .LBB2_7-.Ltmp2, $4  }
0xbc: {  	_ = 	snop  }
0xbd: {  	v3 =	vmul.f32 $3.200000000e+01, v3  }
0xbe: {  	s22 =	sadd.s32 $0x80, s22  }
0xbf: {  	s30 =	sand.u32 $0x1C00, s22;
	s23 =	sadd.s32 $0x10, s23;
	v3 =	vadd.f32 v4, v3  }
0xc0: {  	s22 =	sand.u32 $0x70, s25;
	s20 =	sor.u32 s30, s20  }
0xc1: {  	s20 =	sor.u32 s22, s20;
	[tilespmem:s21+$0x8080] =	vst v3  }
0xc2: {  	v3 =	vld [tilespmem:s20+$0x8080];
	_ =	sdelay $0x1  }
0xc3: {  	v4 =	vld [tilespmem:s20+$0x80]  }
0xc4: {  	s19 =	sadd.s32 $0x1, s19  }
0xc5: {  	p0 =	sne.s32 s19, $0x20  }
.Ltmp3:
0xc6: {  	v3 =	vmul.f32 $3.200000000e+01, v3;
	(pc) =	sbr.rel @p0 .LBB2_6-.Ltmp3, $3  }
0xc7: {  	_ = 	snop  }
0xc8: {  	v3 =	vadd.f32 v4, v3;
	_ =	sdelay $0x1  }
0xc9: {  	[tilespmem:s20+$0x8080] =	vst v3  }
0xca: {  	s18 =	simm.s32 $0x0;
	s19 =	rddreg [dreg:$0xf]  }
0xcb: {  	[hbm4b:s19+s18] =	stream.linear.scatter [tilespmem:s29], [sflag:$0x2], $0x8000, $0x38;
	[tilespmem:$0x10080] =	vst v63  }
0xcc: {  	_ =	swait.ge [sflag:s28], $0x8000  }
0xcd: {  	[sflag:s28] =	ssyncset.done $0x0  }
0xce: {  	s25 =	rddreg [dreg:$0x8];
	[sflag:s28] =	ssyncadd.s32 $0xFFFF8000  }
0xcf: {  	[tilespmem:s18], [sflag:$0x2] =	stream.linear.gather [hbm4b:s25+s18], $0x20, $0x38;
	[tilespmem:$0x10080] =	vst v63  }
0xd0: {  	_ =	swait.ge [sflag:s28], $0x20  }
0xd1: {  	[sflag:s28] =	ssyncset.done $0x0  }
0xd2: {  	[sflag:s28] =	ssyncadd.s32 $0xFFFFFFE0  }
0xd3: {  	v3 =	vld [tilespmem:$0x0];
	_ =	sdelay $0x4  }
0xd4: {  	v4 =	vshll.u32 v3, $0x3  }
0xd5: {  	v3 =	vand.u32 $0x7, v3;
	v4 =	vand.u32 $0xFFFFFFC0, v4  }
0xd6: {  	v3 =	vor.u32 v3, v4  }
0xd7: {  	v4 =	vperm.xlane v3, v0;
	_ =	sdelay $0x1  }
0xd8: {  	v4 =	vadd.s32 v1, v4;
	_ =	sdelay $0x4  }
0xd9: {  	[tilespmem:s29], [sflag:$0x1] =	stream.indirect_vreg.gather [hbm4b:s1+s18], $0x80, v4, vm0, $0xb8;
	[tilespmem:$0x10080] =	vst v63  }
0xda: {  	s30 =	simm.s32 $0x8880;
	v3 =	vperm.xlane v3, v2  }
0xdb: {  	[tilespmem:s30], [sflag:$0x1] =	stream.indirect_vreg.gather [hbm4b:s6+s18], $0x80, v4, vm0, $0xb8;
	[tilespmem:$0x10080] =	vst v63  }
0xdc: {  	v3 =	vadd.s32 v1, v3  }
0xdd: {  	[tilespmem:s31], [sflag:$0x1] =	stream.indirect_vreg.gather [hbm4b:s14+s18], $0x80, v4, vm0, $0xb8;
	[tilespmem:$0x10080] =	vst v63  }
0xde: {  	_ = 	snop  }
0xdf: {  	[tilespmem:s0], [sflag:$0x1] =	stream.indirect_vreg.gather [hbm4b:s24+s18], $0x80, v4, vm0, $0xb8;
	[tilespmem:$0x10080] =	vst v63  }
0xe0: {  	_ = 	snop  }
0xe1: {  	[tilespmem:s2], [sflag:$0x1] =	stream.indirect_vreg.gather [hbm4b:s1+s18], $0x80, v3, vm0, $0xb8;
	[tilespmem:$0x10080] =	vst v63  }
0xe2: {  	_ = 	snop  }
0xe3: {  	[tilespmem:s4], [sflag:$0x1] =	stream.indirect_vreg.gather [hbm4b:s6+s18], $0x80, v3, vm0, $0xb8;
	[tilespmem:$0x10080] =	vst v63  }
0xe4: {  	_ = 	snop  }
0xe5: {  	[tilespmem:s5], [sflag:$0x1] =	stream.indirect_vreg.gather [hbm4b:s14+s18], $0x80, v3, vm0, $0xb8;
	[tilespmem:$0x10080] =	vst v63  }
0xe6: {  	_ = 	snop  }
0xe7: {  	[tilespmem:s7], [sflag:$0x1] =	stream.indirect_vreg.gather [hbm4b:s24+s18], $0x80, v3, vm0, $0xb8;
	[tilespmem:$0x10080] =	vst v63  }
0xe8: {  	v3 =	vld [tilespmem:$0x10];
	_ =	sdelay $0x4  }
0xe9: {  	v63 =	vshll.u32 v3, $0x3  }
0xea: {  	v3 =	vand.u32 $0x7, v3;
	v4 =	vand.u32 $0xFFFFFFC0, v63  }
0xeb: {  	v3 =	vor.u32 v3, v4  }
0xec: {  	v4 =	vperm.xlane v3, v0;
	_ =	sdelay $0x1  }
0xed: {  	v4 =	vadd.s32 v1, v4;
	_ =	sdelay $0x4  }
0xee: {  	[tilespmem:s8], [sflag:$0x1] =	stream.indirect_vreg.gather [hbm4b:s1+s18], $0x80, v4, vm0, $0xb8;
	[tilespmem:$0x10080] =	vst v63  }
0xef: {  	v3 =	vperm.xlane v3, v2  }
0xf0: {  	[tilespmem:s9], [sflag:$0x1] =	stream.indirect_vreg.gather [hbm4b:s6+s18], $0x80, v4, vm0, $0xb8;
	[tilespmem:$0x10080] =	vst v63  }
0xf1: {  	v3 =	vadd.s32 v1, v3  }
0xf2: {  	[tilespmem:s10], [sflag:$0x1] =	stream.indirect_vreg.gather [hbm4b:s14+s18], $0x80, v4, vm0, $0xb8;
	[tilespmem:$0x10080] =	vst v63  }
0xf3: {  	_ = 	snop  }
0xf4: {  	[tilespmem:s11], [sflag:$0x1] =	stream.indirect_vreg.gather [hbm4b:s24+s18], $0x80, v4, vm0, $0xb8;
	[tilespmem:$0x10080] =	vst v63  }
0xf5: {  	_ = 	snop  }
0xf6: {  	[tilespmem:s12], [sflag:$0x1] =	stream.indirect_vreg.gather [hbm4b:s1+s18], $0x80, v3, vm0, $0xb8;
	[tilespmem:$0x10080] =	vst v63  }
0xf7: {  	_ = 	snop  }
0xf8: {  	[tilespmem:s13], [sflag:$0x1] =	stream.indirect_vreg.gather [hbm4b:s6+s18], $0x80, v3, vm0, $0xb8;
	[tilespmem:$0x10080] =	vst v63  }
0xf9: {  	_ = 	snop  }
0xfa: {  	[tilespmem:s15], [sflag:$0x1] =	stream.indirect_vreg.gather [hbm4b:s14+s18], $0x80, v3, vm0, $0xb8;
	[tilespmem:$0x10080] =	vst v63  }
0xfb: {  	_ = 	snop  }
0xfc: {  	[tilespmem:s16], [sflag:$0x1] =	stream.indirect_vreg.gather [hbm4b:s24+s18], $0x80, v3, vm0, $0xb8;
	[tilespmem:$0x10080] =	vst v63  }
0xfd: {  	_ =	swait.ge [sflag:s26], $0x8000  }
0xfe: {  	[sflag:s26] =	ssyncset.done $0x0  }
0xff: {  	s19 =	simm.s32 $0x0;
	[sflag:s26] =	ssyncadd.s32 $0xFFFF8000  }
.LBB2_10:
0x100: {  	s20 =	sshll.u32 s19, $0xA;
	s21 =	sshll.u32 s19, $0x7  }
0x101: {  	s20 =	sand.u32 $0x6000, s20;
	s21 =	sand.u32 $0x380, s21  }
0x102: {  	s25 =	sand.u32 $0x1C00, s18;
	s20 =	sor.u32 s20, s21  }
0x103: {  	s22 =	sand.u32 $0x70, s18;
	s21 =	sor.u32 s25, s20  }
0x104: {  	s21 =	sor.u32 s22, s21  }
0x105: {  	v3 =	vld [tilespmem:s21+$0x8080];
	_ =	sdelay $0x1  }
0x106: {  	v4 =	vld [tilespmem:s21+$0x80];
	_ =	sdelay $0x2  }
0x107: {  	v3 =	vmul.f32 $3.200000000e+01, v3  }
0x108: {  	s22 =	simm.s32 $0x80  }
0x109: {  	s23 =	simm.s32 $0x20;
	s25 =	simm.s32 $0x10;
	s30 =	sand.u32 $0x1C00, s22;
	v3 =	vadd.f32 v4, v3  }
.LBB2_11:
0x10a: {  	p0 =	sne.s32 s23, $0x3F0;
	s25 =	sand.u32 $0x70, s25;
	s30 =	sor.u32 s30, s20  }
0x10b: {  	[tilespmem:s21+$0x8080] =	vst v3;
	s21 =	sor.u32 s25, s30;
	s25 =	smov.u32 s23  }
0x10c: {  	v3 =	vld [tilespmem:s21+$0x8080];
	_ =	sdelay $0x1  }
0x10d: {  	v4 =	vld [tilespmem:s21+$0x80]  }
.Ltmp4:
0x10e: {  	(pc) =	sbr.rel @p0 .LBB2_11-.Ltmp4, $4  }
0x10f: {  	_ = 	snop  }
0x110: {  	v3 =	vmul.f32 $3.200000000e+01, v3  }
0x111: {  	s22 =	sadd.s32 $0x80, s22  }
0x112: {  	s30 =	sand.u32 $0x1C00, s22;
	s23 =	sadd.s32 $0x10, s23;
	v3 =	vadd.f32 v4, v3  }
0x113: {  	s22 =	sand.u32 $0x70, s25;
	s20 =	sor.u32 s30, s20  }
0x114: {  	s20 =	sor.u32 s22, s20;
	[tilespmem:s21+$0x8080] =	vst v3  }
0x115: {  	v3 =	vld [tilespmem:s20+$0x8080];
	_ =	sdelay $0x1  }
0x116: {  	v4 =	vld [tilespmem:s20+$0x80]  }
0x117: {  	s19 =	sadd.s32 $0x1, s19  }
0x118: {  	p0 =	sne.s32 s19, $0x20  }
.Ltmp5:
0x119: {  	v3 =	vmul.f32 $3.200000000e+01, v3;
	(pc) =	sbr.rel @p0 .LBB2_10-.Ltmp5, $3  }
0x11a: {  	_ = 	snop  }
0x11b: {  	v3 =	vadd.f32 v4, v3;
	_ =	sdelay $0x1  }
0x11c: {  	[tilespmem:s20+$0x8080] =	vst v3  }
0x11d: {  	s18 =	simm.s32 $0x0;
	s19 =	rddreg [dreg:$0x10]  }
0x11e: {  	[hbm4b:s19+s18] =	stream.linear.scatter [tilespmem:s29], [sflag:$0x2], $0x8000, $0x38;
	[tilespmem:$0x10080] =	vst v63  }
0x11f: {  	_ =	swait.ge [sflag:s28], $0x8000  }
0x120: {  	[sflag:s28] =	ssyncset.done $0x0  }
0x121: {  	s25 =	rddreg [dreg:$0x9];
	[sflag:s28] =	ssyncadd.s32 $0xFFFF8000  }
0x122: {  	[tilespmem:s18], [sflag:$0x2] =	stream.linear.gather [hbm4b:s25+s18], $0x20, $0x38;
	[tilespmem:$0x10080] =	vst v63  }
0x123: {  	_ =	swait.ge [sflag:s28], $0x20  }
0x124: {  	[sflag:s28] =	ssyncset.done $0x0  }
0x125: {  	[sflag:s28] =	ssyncadd.s32 $0xFFFFFFE0  }
0x126: {  	v3 =	vld [tilespmem:$0x0];
	_ =	sdelay $0x4  }
0x127: {  	v4 =	vshll.u32 v3, $0x3  }
0x128: {  	v3 =	vand.u32 $0x7, v3;
	v4 =	vand.u32 $0xFFFFFFC0, v4  }
0x129: {  	v3 =	vor.u32 v3, v4  }
0x12a: {  	v4 =	vperm.xlane v3, v0;
	_ =	sdelay $0x1  }
0x12b: {  	v4 =	vadd.s32 v1, v4;
	_ =	sdelay $0x4  }
0x12c: {  	[tilespmem:s29], [sflag:$0x1] =	stream.indirect_vreg.gather [hbm4b:s1+s18], $0x80, v4, vm0, $0xb8;
	[tilespmem:$0x10080] =	vst v63  }
0x12d: {  	s30 =	simm.s32 $0x8880;
	v3 =	vperm.xlane v3, v2  }
0x12e: {  	[tilespmem:s30], [sflag:$0x1] =	stream.indirect_vreg.gather [hbm4b:s6+s18], $0x80, v4, vm0, $0xb8;
	[tilespmem:$0x10080] =	vst v63  }
0x12f: {  	v3 =	vadd.s32 v1, v3  }
0x130: {  	[tilespmem:s31], [sflag:$0x1] =	stream.indirect_vreg.gather [hbm4b:s14+s18], $0x80, v4, vm0, $0xb8;
	[tilespmem:$0x10080] =	vst v63  }
0x131: {  	_ = 	snop  }
0x132: {  	[tilespmem:s0], [sflag:$0x1] =	stream.indirect_vreg.gather [hbm4b:s24+s18], $0x80, v4, vm0, $0xb8;
	[tilespmem:$0x10080] =	vst v63  }
0x133: {  	_ = 	snop  }
0x134: {  	[tilespmem:s2], [sflag:$0x1] =	stream.indirect_vreg.gather [hbm4b:s1+s18], $0x80, v3, vm0, $0xb8;
	[tilespmem:$0x10080] =	vst v63  }
0x135: {  	_ = 	snop  }
0x136: {  	[tilespmem:s4], [sflag:$0x1] =	stream.indirect_vreg.gather [hbm4b:s6+s18], $0x80, v3, vm0, $0xb8;
	[tilespmem:$0x10080] =	vst v63  }
0x137: {  	_ = 	snop  }
0x138: {  	[tilespmem:s5], [sflag:$0x1] =	stream.indirect_vreg.gather [hbm4b:s14+s18], $0x80, v3, vm0, $0xb8;
	[tilespmem:$0x10080] =	vst v63  }
0x139: {  	_ = 	snop  }
0x13a: {  	[tilespmem:s7], [sflag:$0x1] =	stream.indirect_vreg.gather [hbm4b:s24+s18], $0x80, v3, vm0, $0xb8;
	[tilespmem:$0x10080] =	vst v63  }
0x13b: {  	v3 =	vld [tilespmem:$0x10];
	_ =	sdelay $0x4  }
0x13c: {  	v63 =	vshll.u32 v3, $0x3  }
0x13d: {  	v3 =	vand.u32 $0x7, v3;
	v4 =	vand.u32 $0xFFFFFFC0, v63  }
0x13e: {  	v3 =	vor.u32 v3, v4  }
0x13f: {  	v4 =	vperm.xlane v3, v0;
	_ =	sdelay $0x1  }
0x140: {  	v4 =	vadd.s32 v1, v4;
	_ =	sdelay $0x4  }
0x141: {  	[tilespmem:s8], [sflag:$0x1] =	stream.indirect_vreg.gather [hbm4b:s1+s18], $0x80, v4, vm0, $0xb8;
	[tilespmem:$0x10080] =	vst v63  }
0x142: {  	v3 =	vperm.xlane v3, v2  }
0x143: {  	[tilespmem:s9], [sflag:$0x1] =	stream.indirect_vreg.gather [hbm4b:s6+s18], $0x80, v4, vm0, $0xb8;
	[tilespmem:$0x10080] =	vst v63  }
0x144: {  	v3 =	vadd.s32 v1, v3  }
0x145: {  	[tilespmem:s10], [sflag:$0x1] =	stream.indirect_vreg.gather [hbm4b:s14+s18], $0x80, v4, vm0, $0xb8;
	[tilespmem:$0x10080] =	vst v63  }
0x146: {  	_ = 	snop  }
0x147: {  	[tilespmem:s11], [sflag:$0x1] =	stream.indirect_vreg.gather [hbm4b:s24+s18], $0x80, v4, vm0, $0xb8;
	[tilespmem:$0x10080] =	vst v63  }
0x148: {  	_ = 	snop  }
0x149: {  	[tilespmem:s12], [sflag:$0x1] =	stream.indirect_vreg.gather [hbm4b:s1+s18], $0x80, v3, vm0, $0xb8;
	[tilespmem:$0x10080] =	vst v63  }
0x14a: {  	_ = 	snop  }
0x14b: {  	[tilespmem:s13], [sflag:$0x1] =	stream.indirect_vreg.gather [hbm4b:s6+s18], $0x80, v3, vm0, $0xb8;
	[tilespmem:$0x10080] =	vst v63  }
0x14c: {  	_ = 	snop  }
0x14d: {  	[tilespmem:s15], [sflag:$0x1] =	stream.indirect_vreg.gather [hbm4b:s14+s18], $0x80, v3, vm0, $0xb8;
	[tilespmem:$0x10080] =	vst v63  }
0x14e: {  	_ = 	snop  }
0x14f: {  	[tilespmem:s16], [sflag:$0x1] =	stream.indirect_vreg.gather [hbm4b:s24+s18], $0x80, v3, vm0, $0xb8;
	[tilespmem:$0x10080] =	vst v63  }
0x150: {  	_ =	swait.ge [sflag:s26], $0x8000  }
0x151: {  	[sflag:s26] =	ssyncset.done $0x0  }
0x152: {  	s19 =	simm.s32 $0x0;
	[sflag:s26] =	ssyncadd.s32 $0xFFFF8000  }
.LBB2_14:
0x153: {  	s20 =	sshll.u32 s19, $0xA;
	s21 =	sshll.u32 s19, $0x7  }
0x154: {  	s20 =	sand.u32 $0x6000, s20;
	s21 =	sand.u32 $0x380, s21  }
0x155: {  	s25 =	sand.u32 $0x1C00, s18;
	s20 =	sor.u32 s20, s21  }
0x156: {  	s22 =	sand.u32 $0x70, s18;
	s21 =	sor.u32 s25, s20  }
0x157: {  	s21 =	sor.u32 s22, s21  }
0x158: {  	v3 =	vld [tilespmem:s21+$0x8080];
	_ =	sdelay $0x1  }
0x159: {  	v4 =	vld [tilespmem:s21+$0x80];
	_ =	sdelay $0x2  }
0x15a: {  	v3 =	vmul.f32 $3.200000000e+01, v3  }
0x15b: {  	s22 =	simm.s32 $0x80  }
0x15c: {  	s23 =	simm.s32 $0x20;
	s25 =	simm.s32 $0x10;
	s30 =	sand.u32 $0x1C00, s22;
	v3 =	vadd.f32 v4, v3  }
.LBB2_15:
0x15d: {  	p0 =	sne.s32 s23, $0x3F0;
	s25 =	sand.u32 $0x70, s25;
	s30 =	sor.u32 s30, s20  }
0x15e: {  	[tilespmem:s21+$0x8080] =	vst v3;
	s21 =	sor.u32 s25, s30;
	s25 =	smov.u32 s23  }
0x15f: {  	v3 =	vld [tilespmem:s21+$0x8080];
	_ =	sdelay $0x1  }
0x160: {  	v4 =	vld [tilespmem:s21+$0x80]  }
.Ltmp6:
0x161: {  	(pc) =	sbr.rel @p0 .LBB2_15-.Ltmp6, $4  }
0x162: {  	_ = 	snop  }
0x163: {  	v3 =	vmul.f32 $3.200000000e+01, v3  }
0x164: {  	s22 =	sadd.s32 $0x80, s22  }
0x165: {  	s30 =	sand.u32 $0x1C00, s22;
	s23 =	sadd.s32 $0x10, s23;
	v3 =	vadd.f32 v4, v3  }
0x166: {  	s22 =	sand.u32 $0x70, s25;
	s20 =	sor.u32 s30, s20  }
0x167: {  	s20 =	sor.u32 s22, s20;
	[tilespmem:s21+$0x8080] =	vst v3  }
0x168: {  	v3 =	vld [tilespmem:s20+$0x8080];
	_ =	sdelay $0x1  }
0x169: {  	v4 =	vld [tilespmem:s20+$0x80]  }
0x16a: {  	s19 =	sadd.s32 $0x1, s19  }
0x16b: {  	p0 =	sne.s32 s19, $0x20  }
.Ltmp7:
0x16c: {  	v3 =	vmul.f32 $3.200000000e+01, v3;
	(pc) =	sbr.rel @p0 .LBB2_14-.Ltmp7, $3  }
0x16d: {  	_ = 	snop  }
0x16e: {  	v3 =	vadd.f32 v4, v3;
	_ =	sdelay $0x1  }
0x16f: {  	[tilespmem:s20+$0x8080] =	vst v3  }
0x170: {  	s18 =	simm.s32 $0x0;
	s19 =	rddreg [dreg:$0x11]  }
0x171: {  	[hbm4b:s19+s18] =	stream.linear.scatter [tilespmem:s29], [sflag:$0x2], $0x8000, $0x38;
	[tilespmem:$0x10080] =	vst v63  }
0x172: {  	_ =	swait.ge [sflag:s28], $0x8000  }
0x173: {  	[sflag:s28] =	ssyncset.done $0x0  }
0x174: {  	s20 =	simm.s32 $0x80;
	s23 =	rddreg [dreg:$0x12];
	[sflag:s28] =	ssyncadd.s32 $0xFFFF8000  }
0x175: {  	[tilespmem:s20], [sflag:$0x2] =	stream.linear.gather [hbm4b:s23+s18], $0x8000, $0x38;
	[tilespmem:$0x10080] =	vst v63  }
0x176: {  	_ =	swait.ge [sflag:s28], $0x8000  }
0x177: {  	[sflag:s28] =	ssyncset.done $0x0  }
0x178: {  	s25 =	rddreg [dreg:$0xa];
	[sflag:s28] =	ssyncadd.s32 $0xFFFF8000  }
0x179: {  	[tilespmem:s18], [sflag:$0x2] =	stream.linear.gather [hbm4b:s25+s18], $0x20, $0x38;
	[tilespmem:$0x10080] =	vst v63  }
0x17a: {  	_ =	swait.ge [sflag:s28], $0x20  }
0x17b: {  	[sflag:s28] =	ssyncset.done $0x0  }
0x17c: {  	[sflag:s28] =	ssyncadd.s32 $0xFFFFFFE0  }
0x17d: {  	v3 =	vld [tilespmem:$0x0];
	_ =	sdelay $0x4  }
0x17e: {  	v4 =	vshll.u32 v3, $0x3  }
0x17f: {  	v3 =	vand.u32 $0x7, v3;
	v4 =	vand.u32 $0xFFFFFFC0, v4  }
0x180: {  	v3 =	vor.u32 v3, v4  }
0x181: {  	v4 =	vperm.xlane v3, v0;
	_ =	sdelay $0x1  }
0x182: {  	v4 =	vadd.s32 v1, v4;
	_ =	sdelay $0x4  }
0x183: {  	[tilespmem:s29], [sflag:$0x1] =	stream.indirect_vreg.gather [hbm4b:s1+s18], $0x80, v4, vm0, $0xb8;
	[tilespmem:$0x10080] =	vst v63  }
0x184: {  	s30 =	simm.s32 $0x8880;
	v3 =	vperm.xlane v3, v2  }
0x185: {  	[tilespmem:s30], [sflag:$0x1] =	stream.indirect_vreg.gather [hbm4b:s6+s18], $0x80, v4, vm0, $0xb8;
	[tilespmem:$0x10080] =	vst v63  }
0x186: {  	v3 =	vadd.s32 v1, v3  }
0x187: {  	[tilespmem:s31], [sflag:$0x1] =	stream.indirect_vreg.gather [hbm4b:s14+s18], $0x80, v4, vm0, $0xb8;
	[tilespmem:$0x10080] =	vst v63  }
0x188: {  	_ = 	snop  }
0x189: {  	[tilespmem:s0], [sflag:$0x1] =	stream.indirect_vreg.gather [hbm4b:s24+s18], $0x80, v4, vm0, $0xb8;
	[tilespmem:$0x10080] =	vst v63  }
0x18a: {  	_ = 	snop  }
0x18b: {  	[tilespmem:s2], [sflag:$0x1] =	stream.indirect_vreg.gather [hbm4b:s1+s18], $0x80, v3, vm0, $0xb8;
	[tilespmem:$0x10080] =	vst v63  }
0x18c: {  	_ = 	snop  }
0x18d: {  	[tilespmem:s4], [sflag:$0x1] =	stream.indirect_vreg.gather [hbm4b:s6+s18], $0x80, v3, vm0, $0xb8;
	[tilespmem:$0x10080] =	vst v63  }
0x18e: {  	_ = 	snop  }
0x18f: {  	[tilespmem:s5], [sflag:$0x1] =	stream.indirect_vreg.gather [hbm4b:s14+s18], $0x80, v3, vm0, $0xb8;
	[tilespmem:$0x10080] =	vst v63  }
0x190: {  	_ = 	snop  }
0x191: {  	[tilespmem:s7], [sflag:$0x1] =	stream.indirect_vreg.gather [hbm4b:s24+s18], $0x80, v3, vm0, $0xb8;
	[tilespmem:$0x10080] =	vst v63  }
0x192: {  	v3 =	vld [tilespmem:$0x10];
	_ =	sdelay $0x4  }
0x193: {  	v63 =	vshll.u32 v3, $0x3  }
0x194: {  	v3 =	vand.u32 $0x7, v3;
	v4 =	vand.u32 $0xFFFFFFC0, v63  }
0x195: {  	v3 =	vor.u32 v3, v4  }
0x196: {  	v4 =	vperm.xlane v3, v0;
	_ =	sdelay $0x1  }
0x197: {  	v4 =	vadd.s32 v1, v4;
	_ =	sdelay $0x4  }
0x198: {  	[tilespmem:s8], [sflag:$0x1] =	stream.indirect_vreg.gather [hbm4b:s1+s18], $0x80, v4, vm0, $0xb8;
	[tilespmem:$0x10080] =	vst v63  }
0x199: {  	v3 =	vperm.xlane v3, v2  }
0x19a: {  	[tilespmem:s9], [sflag:$0x1] =	stream.indirect_vreg.gather [hbm4b:s6+s18], $0x80, v4, vm0, $0xb8;
	[tilespmem:$0x10080] =	vst v63  }
0x19b: {  	v3 =	vadd.s32 v1, v3  }
0x19c: {  	[tilespmem:s10], [sflag:$0x1] =	stream.indirect_vreg.gather [hbm4b:s14+s18], $0x80, v4, vm0, $0xb8;
	[tilespmem:$0x10080] =	vst v63  }
0x19d: {  	_ = 	snop  }
0x19e: {  	[tilespmem:s11], [sflag:$0x1] =	stream.indirect_vreg.gather [hbm4b:s24+s18], $0x80, v4, vm0, $0xb8;
	[tilespmem:$0x10080] =	vst v63  }
0x19f: {  	_ = 	snop  }
0x1a0: {  	[tilespmem:s12], [sflag:$0x1] =	stream.indirect_vreg.gather [hbm4b:s1+s18], $0x80, v3, vm0, $0xb8;
	[tilespmem:$0x10080] =	vst v63  }
0x1a1: {  	_ = 	snop  }
0x1a2: {  	[tilespmem:s13], [sflag:$0x1] =	stream.indirect_vreg.gather [hbm4b:s6+s18], $0x80, v3, vm0, $0xb8;
	[tilespmem:$0x10080] =	vst v63  }
0x1a3: {  	_ = 	snop  }
0x1a4: {  	[tilespmem:s15], [sflag:$0x1] =	stream.indirect_vreg.gather [hbm4b:s14+s18], $0x80, v3, vm0, $0xb8;
	[tilespmem:$0x10080] =	vst v63  }
0x1a5: {  	_ = 	snop  }
0x1a6: {  	[tilespmem:s16], [sflag:$0x1] =	stream.indirect_vreg.gather [hbm4b:s24+s18], $0x80, v3, vm0, $0xb8;
	[tilespmem:$0x10080] =	vst v63  }
0x1a7: {  	_ =	swait.ge [sflag:s26], $0x8000  }
0x1a8: {  	[sflag:s26] =	ssyncset.done $0x0  }
0x1a9: {  	s19 =	simm.s32 $0x0;
	[sflag:s26] =	ssyncadd.s32 $0xFFFF8000  }
.LBB2_18:
0x1aa: {  	s20 =	sshll.u32 s19, $0xA;
	s21 =	sshll.u32 s19, $0x7  }
0x1ab: {  	s20 =	sand.u32 $0x6000, s20;
	s21 =	sand.u32 $0x380, s21  }
0x1ac: {  	s25 =	sand.u32 $0x1C00, s18;
	s20 =	sor.u32 s20, s21  }
0x1ad: {  	s22 =	sand.u32 $0x70, s18;
	s21 =	sor.u32 s25, s20  }
0x1ae: {  	s21 =	sor.u32 s22, s21  }
0x1af: {  	v3 =	vld [tilespmem:s21+$0x8080];
	_ =	sdelay $0x1  }
0x1b0: {  	v4 =	vld [tilespmem:s21+$0x80];
	_ =	sdelay $0x2  }
0x1b1: {  	v3 =	vmul.f32 $3.200000000e+01, v3  }
0x1b2: {  	s22 =	simm.s32 $0x80  }
0x1b3: {  	s23 =	simm.s32 $0x20;
	s25 =	simm.s32 $0x10;
	s30 =	sand.u32 $0x1C00, s22;
	v3 =	vadd.f32 v4, v3  }
.LBB2_19:
0x1b4: {  	p0 =	sne.s32 s23, $0x3F0;
	s25 =	sand.u32 $0x70, s25;
	s30 =	sor.u32 s30, s20  }
0x1b5: {  	[tilespmem:s21+$0x8080] =	vst v3;
	s21 =	sor.u32 s25, s30;
	s25 =	smov.u32 s23  }
0x1b6: {  	v3 =	vld [tilespmem:s21+$0x8080];
	_ =	sdelay $0x1  }
0x1b7: {  	v4 =	vld [tilespmem:s21+$0x80]  }
.Ltmp8:
0x1b8: {  	(pc) =	sbr.rel @p0 .LBB2_19-.Ltmp8, $4  }
0x1b9: {  	_ = 	snop  }
0x1ba: {  	v3 =	vmul.f32 $3.200000000e+01, v3  }
0x1bb: {  	s22 =	sadd.s32 $0x80, s22  }
0x1bc: {  	s30 =	sand.u32 $0x1C00, s22;
	s23 =	sadd.s32 $0x10, s23;
	v3 =	vadd.f32 v4, v3  }
0x1bd: {  	s22 =	sand.u32 $0x70, s25;
	s20 =	sor.u32 s30, s20  }
0x1be: {  	s20 =	sor.u32 s22, s20;
	[tilespmem:s21+$0x8080] =	vst v3  }
0x1bf: {  	v3 =	vld [tilespmem:s20+$0x8080];
	_ =	sdelay $0x1  }
0x1c0: {  	v4 =	vld [tilespmem:s20+$0x80]  }
0x1c1: {  	s19 =	sadd.s32 $0x1, s19  }
0x1c2: {  	p0 =	sne.s32 s19, $0x20  }
.Ltmp9:
0x1c3: {  	v3 =	vmul.f32 $3.200000000e+01, v3;
	(pc) =	sbr.rel @p0 .LBB2_18-.Ltmp9, $3  }
0x1c4: {  	_ = 	snop  }
0x1c5: {  	v3 =	vadd.f32 v4, v3;
	_ =	sdelay $0x1  }
0x1c6: {  	[tilespmem:s20+$0x8080] =	vst v3  }
0x1c7: {  	s18 =	simm.s32 $0x0;
	s19 =	rddreg [dreg:$0x13]  }
0x1c8: {  	[hbm4b:s19+s18] =	stream.linear.scatter [tilespmem:s29], [sflag:$0x2], $0x8000, $0x38;
	[tilespmem:$0x10080] =	vst v63  }
0x1c9: {  	_ =	swait.ge [sflag:s28], $0x8000  }
0x1ca: {  	[sflag:s28] =	ssyncset.done $0x0  }
0x1cb: {  	s25 =	rddreg [dreg:$0xb];
	[sflag:s28] =	ssyncadd.s32 $0xFFFF8000  }
0x1cc: {  	[tilespmem:s18], [sflag:$0x2] =	stream.linear.gather [hbm4b:s25+s18], $0x20, $0x38;
	[tilespmem:$0x10080] =	vst v63  }
0x1cd: {  	_ =	swait.ge [sflag:s28], $0x20  }
0x1ce: {  	[sflag:s28] =	ssyncset.done $0x0  }
0x1cf: {  	[sflag:s28] =	ssyncadd.s32 $0xFFFFFFE0  }
0x1d0: {  	v3 =	vld [tilespmem:$0x0];
	_ =	sdelay $0x4  }
0x1d1: {  	v4 =	vshll.u32 v3, $0x3  }
0x1d2: {  	v3 =	vand.u32 $0x7, v3;
	v4 =	vand.u32 $0xFFFFFFC0, v4  }
0x1d3: {  	v3 =	vor.u32 v3, v4  }
0x1d4: {  	v4 =	vperm.xlane v3, v0;
	_ =	sdelay $0x1  }
0x1d5: {  	v4 =	vadd.s32 v1, v4;
	_ =	sdelay $0x4  }
0x1d6: {  	[tilespmem:s29], [sflag:$0x1] =	stream.indirect_vreg.gather [hbm4b:s1+s18], $0x80, v4, vm0, $0xb8;
	[tilespmem:$0x10080] =	vst v63  }
0x1d7: {  	s30 =	simm.s32 $0x8880;
	v3 =	vperm.xlane v3, v2  }
0x1d8: {  	[tilespmem:s30], [sflag:$0x1] =	stream.indirect_vreg.gather [hbm4b:s6+s18], $0x80, v4, vm0, $0xb8;
	[tilespmem:$0x10080] =	vst v63  }
0x1d9: {  	v3 =	vadd.s32 v1, v3  }
0x1da: {  	[tilespmem:s31], [sflag:$0x1] =	stream.indirect_vreg.gather [hbm4b:s14+s18], $0x80, v4, vm0, $0xb8;
	[tilespmem:$0x10080] =	vst v63  }
0x1db: {  	_ = 	snop  }
0x1dc: {  	[tilespmem:s0], [sflag:$0x1] =	stream.indirect_vreg.gather [hbm4b:s24+s18], $0x80, v4, vm0, $0xb8;
	[tilespmem:$0x10080] =	vst v63  }
0x1dd: {  	_ = 	snop  }
0x1de: {  	[tilespmem:s2], [sflag:$0x1] =	stream.indirect_vreg.gather [hbm4b:s1+s18], $0x80, v3, vm0, $0xb8;
	[tilespmem:$0x10080] =	vst v63  }
0x1df: {  	_ = 	snop  }
0x1e0: {  	[tilespmem:s4], [sflag:$0x1] =	stream.indirect_vreg.gather [hbm4b:s6+s18], $0x80, v3, vm0, $0xb8;
	[tilespmem:$0x10080] =	vst v63  }
0x1e1: {  	_ = 	snop  }
0x1e2: {  	[tilespmem:s5], [sflag:$0x1] =	stream.indirect_vreg.gather [hbm4b:s14+s18], $0x80, v3, vm0, $0xb8;
	[tilespmem:$0x10080] =	vst v63  }
0x1e3: {  	_ = 	snop  }
0x1e4: {  	[tilespmem:s7], [sflag:$0x1] =	stream.indirect_vreg.gather [hbm4b:s24+s18], $0x80, v3, vm0, $0xb8;
	[tilespmem:$0x10080] =	vst v63  }
0x1e5: {  	v3 =	vld [tilespmem:$0x10];
	_ =	sdelay $0x4  }
0x1e6: {  	v63 =	vshll.u32 v3, $0x3  }
0x1e7: {  	v3 =	vand.u32 $0x7, v3;
	v4 =	vand.u32 $0xFFFFFFC0, v63  }
0x1e8: {  	v3 =	vor.u32 v3, v4  }
0x1e9: {  	v4 =	vperm.xlane v3, v0;
	_ =	sdelay $0x1  }
0x1ea: {  	v4 =	vadd.s32 v1, v4;
	_ =	sdelay $0x4  }
0x1eb: {  	[tilespmem:s8], [sflag:$0x1] =	stream.indirect_vreg.gather [hbm4b:s1+s18], $0x80, v4, vm0, $0xb8;
	[tilespmem:$0x10080] =	vst v63  }
0x1ec: {  	v3 =	vperm.xlane v3, v2  }
0x1ed: {  	[tilespmem:s9], [sflag:$0x1] =	stream.indirect_vreg.gather [hbm4b:s6+s18], $0x80, v4, vm0, $0xb8;
	[tilespmem:$0x10080] =	vst v63  }
0x1ee: {  	v3 =	vadd.s32 v1, v3  }
0x1ef: {  	[tilespmem:s10], [sflag:$0x1] =	stream.indirect_vreg.gather [hbm4b:s14+s18], $0x80, v4, vm0, $0xb8;
	[tilespmem:$0x10080] =	vst v63  }
0x1f0: {  	_ = 	snop  }
0x1f1: {  	[tilespmem:s11], [sflag:$0x1] =	stream.indirect_vreg.gather [hbm4b:s24+s18], $0x80, v4, vm0, $0xb8;
	[tilespmem:$0x10080] =	vst v63  }
0x1f2: {  	_ = 	snop  }
0x1f3: {  	[tilespmem:s12], [sflag:$0x1] =	stream.indirect_vreg.gather [hbm4b:s1+s18], $0x80, v3, vm0, $0xb8;
	[tilespmem:$0x10080] =	vst v63  }
0x1f4: {  	_ = 	snop  }
0x1f5: {  	[tilespmem:s13], [sflag:$0x1] =	stream.indirect_vreg.gather [hbm4b:s6+s18], $0x80, v3, vm0, $0xb8;
	[tilespmem:$0x10080] =	vst v63  }
0x1f6: {  	_ = 	snop  }
0x1f7: {  	[tilespmem:s15], [sflag:$0x1] =	stream.indirect_vreg.gather [hbm4b:s14+s18], $0x80, v3, vm0, $0xb8;
	[tilespmem:$0x10080] =	vst v63  }
0x1f8: {  	_ = 	snop  }
0x1f9: {  	[tilespmem:s16], [sflag:$0x1] =	stream.indirect_vreg.gather [hbm4b:s24+s18], $0x80, v3, vm0, $0xb8;
	[tilespmem:$0x10080] =	vst v63  }
0x1fa: {  	_ =	swait.ge [sflag:s26], $0x8000  }
0x1fb: {  	[sflag:s26] =	ssyncset.done $0x0  }
0x1fc: {  	s19 =	simm.s32 $0x0;
	[sflag:s26] =	ssyncadd.s32 $0xFFFF8000  }
.LBB2_22:
0x1fd: {  	s20 =	sshll.u32 s19, $0xA;
	s21 =	sshll.u32 s19, $0x7  }
0x1fe: {  	s20 =	sand.u32 $0x6000, s20;
	s21 =	sand.u32 $0x380, s21  }
0x1ff: {  	s25 =	sand.u32 $0x1C00, s18;
	s20 =	sor.u32 s20, s21  }
0x200: {  	s22 =	sand.u32 $0x70, s18;
	s21 =	sor.u32 s25, s20  }
0x201: {  	s21 =	sor.u32 s22, s21  }
0x202: {  	v3 =	vld [tilespmem:s21+$0x8080];
	_ =	sdelay $0x1  }
0x203: {  	v4 =	vld [tilespmem:s21+$0x80];
	_ =	sdelay $0x2  }
0x204: {  	v3 =	vmul.f32 $3.200000000e+01, v3  }
0x205: {  	s22 =	simm.s32 $0x80  }
0x206: {  	s23 =	simm.s32 $0x20;
	s25 =	simm.s32 $0x10;
	s30 =	sand.u32 $0x1C00, s22;
	v3 =	vadd.f32 v4, v3  }
.LBB2_23:
0x207: {  	p0 =	sne.s32 s23, $0x3F0;
	s25 =	sand.u32 $0x70, s25;
	s30 =	sor.u32 s30, s20  }
0x208: {  	[tilespmem:s21+$0x8080] =	vst v3;
	s21 =	sor.u32 s25, s30;
	s25 =	smov.u32 s23  }
0x209: {  	v3 =	vld [tilespmem:s21+$0x8080];
	_ =	sdelay $0x1  }
0x20a: {  	v4 =	vld [tilespmem:s21+$0x80]  }
.Ltmp10:
0x20b: {  	(pc) =	sbr.rel @p0 .LBB2_23-.Ltmp10, $4  }
0x20c: {  	_ = 	snop  }
0x20d: {  	v3 =	vmul.f32 $3.200000000e+01, v3  }
0x20e: {  	s22 =	sadd.s32 $0x80, s22  }
0x20f: {  	s30 =	sand.u32 $0x1C00, s22;
	s23 =	sadd.s32 $0x10, s23;
	v3 =	vadd.f32 v4, v3  }
0x210: {  	s22 =	sand.u32 $0x70, s25;
	s20 =	sor.u32 s30, s20  }
0x211: {  	s20 =	sor.u32 s22, s20;
	[tilespmem:s21+$0x8080] =	vst v3  }
0x212: {  	v3 =	vld [tilespmem:s20+$0x8080];
	_ =	sdelay $0x1  }
0x213: {  	v4 =	vld [tilespmem:s20+$0x80]  }
0x214: {  	s19 =	sadd.s32 $0x1, s19  }
0x215: {  	p0 =	sne.s32 s19, $0x20  }
.Ltmp11:
0x216: {  	v3 =	vmul.f32 $3.200000000e+01, v3;
	(pc) =	sbr.rel @p0 .LBB2_22-.Ltmp11, $3  }
0x217: {  	_ = 	snop  }
0x218: {  	v3 =	vadd.f32 v4, v3;
	_ =	sdelay $0x1  }
0x219: {  	[tilespmem:s20+$0x8080] =	vst v3  }
0x21a: {  	s18 =	simm.s32 $0x0;
	s19 =	rddreg [dreg:$0x14]  }
0x21b: {  	[hbm4b:s19+s18] =	stream.linear.scatter [tilespmem:s29], [sflag:$0x2], $0x8000, $0x38;
	[tilespmem:$0x10080] =	vst v63  }
0x21c: {  	_ =	swait.ge [sflag:s28], $0x8000  }
0x21d: {  	[sflag:s28] =	ssyncset.done $0x0  }
0x21e: {  	s25 =	rddreg [dreg:$0xc];
	[sflag:s28] =	ssyncadd.s32 $0xFFFF8000  }
0x21f: {  	[tilespmem:s18], [sflag:$0x2] =	stream.linear.gather [hbm4b:s25+s18], $0x20, $0x38;
	[tilespmem:$0x10080] =	vst v63  }
0x220: {  	_ =	swait.ge [sflag:s28], $0x20  }
0x221: {  	[sflag:s28] =	ssyncset.done $0x0  }
0x222: {  	[sflag:s28] =	ssyncadd.s32 $0xFFFFFFE0  }
0x223: {  	v3 =	vld [tilespmem:$0x0];
	_ =	sdelay $0x4  }
0x224: {  	v4 =	vshll.u32 v3, $0x3  }
0x225: {  	v3 =	vand.u32 $0x7, v3;
	v4 =	vand.u32 $0xFFFFFFC0, v4  }
0x226: {  	v3 =	vor.u32 v3, v4  }
0x227: {  	v4 =	vperm.xlane v3, v0;
	_ =	sdelay $0x1  }
0x228: {  	v4 =	vadd.s32 v1, v4;
	_ =	sdelay $0x4  }
0x229: {  	[tilespmem:s29], [sflag:$0x1] =	stream.indirect_vreg.gather [hbm4b:s1+s18], $0x80, v4, vm0, $0xb8;
	[tilespmem:$0x10080] =	vst v63  }
0x22a: {  	s30 =	simm.s32 $0x8880;
	v3 =	vperm.xlane v3, v2  }
0x22b: {  	[tilespmem:s30], [sflag:$0x1] =	stream.indirect_vreg.gather [hbm4b:s6+s18], $0x80, v4, vm0, $0xb8;
	[tilespmem:$0x10080] =	vst v63  }
0x22c: {  	v3 =	vadd.s32 v1, v3  }
0x22d: {  	[tilespmem:s31], [sflag:$0x1] =	stream.indirect_vreg.gather [hbm4b:s14+s18], $0x80, v4, vm0, $0xb8;
	[tilespmem:$0x10080] =	vst v63  }
0x22e: {  	_ = 	snop  }
0x22f: {  	[tilespmem:s0], [sflag:$0x1] =	stream.indirect_vreg.gather [hbm4b:s24+s18], $0x80, v4, vm0, $0xb8;
	[tilespmem:$0x10080] =	vst v63  }
0x230: {  	_ = 	snop  }
0x231: {  	[tilespmem:s2], [sflag:$0x1] =	stream.indirect_vreg.gather [hbm4b:s1+s18], $0x80, v3, vm0, $0xb8;
	[tilespmem:$0x10080] =	vst v63  }
0x232: {  	_ = 	snop  }
0x233: {  	[tilespmem:s4], [sflag:$0x1] =	stream.indirect_vreg.gather [hbm4b:s6+s18], $0x80, v3, vm0, $0xb8;
	[tilespmem:$0x10080] =	vst v63  }
0x234: {  	_ = 	snop  }
0x235: {  	[tilespmem:s5], [sflag:$0x1] =	stream.indirect_vreg.gather [hbm4b:s14+s18], $0x80, v3, vm0, $0xb8;
	[tilespmem:$0x10080] =	vst v63  }
0x236: {  	_ = 	snop  }
0x237: {  	[tilespmem:s7], [sflag:$0x1] =	stream.indirect_vreg.gather [hbm4b:s24+s18], $0x80, v3, vm0, $0xb8;
	[tilespmem:$0x10080] =	vst v63  }
0x238: {  	v3 =	vld [tilespmem:$0x10];
	_ =	sdelay $0x4  }
0x239: {  	v63 =	vshll.u32 v3, $0x3  }
0x23a: {  	v3 =	vand.u32 $0x7, v3;
	v4 =	vand.u32 $0xFFFFFFC0, v63  }
0x23b: {  	v3 =	vor.u32 v3, v4  }
0x23c: {  	v4 =	vperm.xlane v3, v0;
	_ =	sdelay $0x1  }
0x23d: {  	v4 =	vadd.s32 v1, v4;
	_ =	sdelay $0x4  }
0x23e: {  	[tilespmem:s8], [sflag:$0x1] =	stream.indirect_vreg.gather [hbm4b:s1+s18], $0x80, v4, vm0, $0xb8;
	[tilespmem:$0x10080] =	vst v63  }
0x23f: {  	v3 =	vperm.xlane v3, v2  }
0x240: {  	[tilespmem:s9], [sflag:$0x1] =	stream.indirect_vreg.gather [hbm4b:s6+s18], $0x80, v4, vm0, $0xb8;
	[tilespmem:$0x10080] =	vst v63  }
0x241: {  	v3 =	vadd.s32 v1, v3  }
0x242: {  	[tilespmem:s10], [sflag:$0x1] =	stream.indirect_vreg.gather [hbm4b:s14+s18], $0x80, v4, vm0, $0xb8;
	[tilespmem:$0x10080] =	vst v63  }
0x243: {  	_ = 	snop  }
0x244: {  	[tilespmem:s11], [sflag:$0x1] =	stream.indirect_vreg.gather [hbm4b:s24+s18], $0x80, v4, vm0, $0xb8;
	[tilespmem:$0x10080] =	vst v63  }
0x245: {  	_ = 	snop  }
0x246: {  	[tilespmem:s12], [sflag:$0x1] =	stream.indirect_vreg.gather [hbm4b:s1+s18], $0x80, v3, vm0, $0xb8;
	[tilespmem:$0x10080] =	vst v63  }
0x247: {  	_ = 	snop  }
0x248: {  	[tilespmem:s13], [sflag:$0x1] =	stream.indirect_vreg.gather [hbm4b:s6+s18], $0x80, v3, vm0, $0xb8;
	[tilespmem:$0x10080] =	vst v63  }
0x249: {  	_ = 	snop  }
0x24a: {  	[tilespmem:s15], [sflag:$0x1] =	stream.indirect_vreg.gather [hbm4b:s14+s18], $0x80, v3, vm0, $0xb8;
	[tilespmem:$0x10080] =	vst v63  }
0x24b: {  	_ = 	snop  }
0x24c: {  	[tilespmem:s16], [sflag:$0x1] =	stream.indirect_vreg.gather [hbm4b:s24+s18], $0x80, v3, vm0, $0xb8;
	[tilespmem:$0x10080] =	vst v63  }
0x24d: {  	_ =	swait.ge [sflag:s26], $0x8000  }
0x24e: {  	[sflag:s26] =	ssyncset.done $0x0  }
0x24f: {  	s19 =	simm.s32 $0x0;
	[sflag:s26] =	ssyncadd.s32 $0xFFFF8000  }
.LBB2_26:
0x250: {  	s20 =	sshll.u32 s19, $0xA;
	s21 =	sshll.u32 s19, $0x7  }
0x251: {  	s20 =	sand.u32 $0x6000, s20;
	s21 =	sand.u32 $0x380, s21  }
0x252: {  	s25 =	sand.u32 $0x1C00, s18;
	s20 =	sor.u32 s20, s21  }
0x253: {  	s22 =	sand.u32 $0x70, s18;
	s21 =	sor.u32 s25, s20  }
0x254: {  	s21 =	sor.u32 s22, s21  }
0x255: {  	v3 =	vld [tilespmem:s21+$0x8080];
	_ =	sdelay $0x1  }
0x256: {  	v4 =	vld [tilespmem:s21+$0x80];
	_ =	sdelay $0x2  }
0x257: {  	v3 =	vmul.f32 $3.200000000e+01, v3  }
0x258: {  	s22 =	simm.s32 $0x80  }
0x259: {  	s23 =	simm.s32 $0x20;
	s25 =	simm.s32 $0x10;
	s30 =	sand.u32 $0x1C00, s22;
	v3 =	vadd.f32 v4, v3  }
.LBB2_27:
0x25a: {  	p0 =	sne.s32 s23, $0x3F0;
	s25 =	sand.u32 $0x70, s25;
	s30 =	sor.u32 s30, s20  }
0x25b: {  	[tilespmem:s21+$0x8080] =	vst v3;
	s21 =	sor.u32 s25, s30;
	s25 =	smov.u32 s23  }
0x25c: {  	v3 =	vld [tilespmem:s21+$0x8080];
	_ =	sdelay $0x1  }
0x25d: {  	v4 =	vld [tilespmem:s21+$0x80]  }
.Ltmp12:
0x25e: {  	(pc) =	sbr.rel @p0 .LBB2_27-.Ltmp12, $4  }
0x25f: {  	_ = 	snop  }
0x260: {  	v3 =	vmul.f32 $3.200000000e+01, v3  }
0x261: {  	s22 =	sadd.s32 $0x80, s22  }
0x262: {  	s30 =	sand.u32 $0x1C00, s22;
	s23 =	sadd.s32 $0x10, s23;
	v3 =	vadd.f32 v4, v3  }
0x263: {  	s22 =	sand.u32 $0x70, s25;
	s20 =	sor.u32 s30, s20  }
0x264: {  	s20 =	sor.u32 s22, s20;
	[tilespmem:s21+$0x8080] =	vst v3  }
0x265: {  	v3 =	vld [tilespmem:s20+$0x8080];
	_ =	sdelay $0x1  }
0x266: {  	v4 =	vld [tilespmem:s20+$0x80]  }
0x267: {  	s19 =	sadd.s32 $0x1, s19  }
0x268: {  	p0 =	sne.s32 s19, $0x20  }
.Ltmp13:
0x269: {  	v3 =	vmul.f32 $3.200000000e+01, v3;
	(pc) =	sbr.rel @p0 .LBB2_26-.Ltmp13, $3  }
0x26a: {  	_ = 	snop  }
0x26b: {  	v3 =	vadd.f32 v4, v3;
	_ =	sdelay $0x1  }
0x26c: {  	[tilespmem:s20+$0x8080] =	vst v3  }
0x26d: {  	s18 =	simm.s32 $0x0;
	s19 =	rddreg [dreg:$0x15]  }
0x26e: {  	[hbm4b:s19+s18] =	stream.linear.scatter [tilespmem:s29], [sflag:$0x2], $0x8000, $0x38;
	[tilespmem:$0x10080] =	vst v63  }
0x26f: {  	_ =	swait.ge [sflag:s28], $0x8000  }
0x270: {  	[sflag:s28] =	ssyncset.done $0x0  }
0x271: {  	s25 =	rddreg [dreg:$0xd];
	[sflag:s28] =	ssyncadd.s32 $0xFFFF8000  }
0x272: {  	[tilespmem:s18], [sflag:$0x2] =	stream.linear.gather [hbm4b:s25+s18], $0x20, $0x38;
	[tilespmem:$0x10080] =	vst v63  }
0x273: {  	_ =	swait.ge [sflag:s28], $0x20  }
0x274: {  	[sflag:s28] =	ssyncset.done $0x0  }
0x275: {  	[sflag:s28] =	ssyncadd.s32 $0xFFFFFFE0  }
0x276: {  	v3 =	vld [tilespmem:$0x0];
	_ =	sdelay $0x4  }
0x277: {  	v4 =	vshll.u32 v3, $0x3  }
0x278: {  	v3 =	vand.u32 $0x7, v3;
	v4 =	vand.u32 $0xFFFFFFC0, v4  }
0x279: {  	v3 =	vor.u32 v3, v4  }
0x27a: {  	v4 =	vperm.xlane v3, v0;
	_ =	sdelay $0x1  }
0x27b: {  	v4 =	vadd.s32 v1, v4;
	_ =	sdelay $0x4  }
0x27c: {  	[tilespmem:s29], [sflag:$0x1] =	stream.indirect_vreg.gather [hbm4b:s1+s18], $0x80, v4, vm0, $0xb8;
	[tilespmem:$0x10080] =	vst v63  }
0x27d: {  	s30 =	simm.s32 $0x8880;
	v3 =	vperm.xlane v3, v2  }
0x27e: {  	[tilespmem:s30], [sflag:$0x1] =	stream.indirect_vreg.gather [hbm4b:s6+s18], $0x80, v4, vm0, $0xb8;
	[tilespmem:$0x10080] =	vst v63  }
0x27f: {  	v3 =	vadd.s32 v1, v3  }
0x280: {  	[tilespmem:s31], [sflag:$0x1] =	stream.indirect_vreg.gather [hbm4b:s14+s18], $0x80, v4, vm0, $0xb8;
	[tilespmem:$0x10080] =	vst v63  }
0x281: {  	_ = 	snop  }
0x282: {  	[tilespmem:s0], [sflag:$0x1] =	stream.indirect_vreg.gather [hbm4b:s24+s18], $0x80, v4, vm0, $0xb8;
	[tilespmem:$0x10080] =	vst v63  }
0x283: {  	_ = 	snop  }
0x284: {  	[tilespmem:s2], [sflag:$0x1] =	stream.indirect_vreg.gather [hbm4b:s1+s18], $0x80, v3, vm0, $0xb8;
	[tilespmem:$0x10080] =	vst v63  }
0x285: {  	_ = 	snop  }
0x286: {  	[tilespmem:s4], [sflag:$0x1] =	stream.indirect_vreg.gather [hbm4b:s6+s18], $0x80, v3, vm0, $0xb8;
	[tilespmem:$0x10080] =	vst v63  }
0x287: {  	_ = 	snop  }
0x288: {  	[tilespmem:s5], [sflag:$0x1] =	stream.indirect_vreg.gather [hbm4b:s14+s18], $0x80, v3, vm0, $0xb8;
	[tilespmem:$0x10080] =	vst v63  }
0x289: {  	_ = 	snop  }
0x28a: {  	[tilespmem:s7], [sflag:$0x1] =	stream.indirect_vreg.gather [hbm4b:s24+s18], $0x80, v3, vm0, $0xb8;
	[tilespmem:$0x10080] =	vst v63  }
0x28b: {  	v3 =	vld [tilespmem:$0x10];
	_ =	sdelay $0x4  }
0x28c: {  	v63 =	vshll.u32 v3, $0x3  }
0x28d: {  	v3 =	vand.u32 $0x7, v3;
	v4 =	vand.u32 $0xFFFFFFC0, v63  }
0x28e: {  	v3 =	vor.u32 v3, v4  }
0x28f: {  	v4 =	vperm.xlane v3, v0;
	_ =	sdelay $0x1  }
0x290: {  	v4 =	vadd.s32 v1, v4;
	_ =	sdelay $0x4  }
0x291: {  	[tilespmem:s8], [sflag:$0x1] =	stream.indirect_vreg.gather [hbm4b:s1+s18], $0x80, v4, vm0, $0xb8;
	[tilespmem:$0x10080] =	vst v63  }
0x292: {  	v3 =	vperm.xlane v3, v2  }
0x293: {  	[tilespmem:s9], [sflag:$0x1] =	stream.indirect_vreg.gather [hbm4b:s6+s18], $0x80, v4, vm0, $0xb8;
	[tilespmem:$0x10080] =	vst v63  }
0x294: {  	v3 =	vadd.s32 v1, v3  }
0x295: {  	[tilespmem:s10], [sflag:$0x1] =	stream.indirect_vreg.gather [hbm4b:s14+s18], $0x80, v4, vm0, $0xb8;
	[tilespmem:$0x10080] =	vst v63  }
0x296: {  	_ = 	snop  }
0x297: {  	[tilespmem:s11], [sflag:$0x1] =	stream.indirect_vreg.gather [hbm4b:s24+s18], $0x80, v4, vm0, $0xb8;
	[tilespmem:$0x10080] =	vst v63  }
0x298: {  	_ = 	snop  }
0x299: {  	[tilespmem:s12], [sflag:$0x1] =	stream.indirect_vreg.gather [hbm4b:s1+s18], $0x80, v3, vm0, $0xb8;
	[tilespmem:$0x10080] =	vst v63  }
0x29a: {  	_ = 	snop  }
0x29b: {  	[tilespmem:s13], [sflag:$0x1] =	stream.indirect_vreg.gather [hbm4b:s6+s18], $0x80, v3, vm0, $0xb8;
	[tilespmem:$0x10080] =	vst v63  }
0x29c: {  	_ = 	snop  }
0x29d: {  	[tilespmem:s15], [sflag:$0x1] =	stream.indirect_vreg.gather [hbm4b:s14+s18], $0x80, v3, vm0, $0xb8;
	[tilespmem:$0x10080] =	vst v63  }
0x29e: {  	_ = 	snop  }
0x29f: {  	[tilespmem:s16], [sflag:$0x1] =	stream.indirect_vreg.gather [hbm4b:s24+s18], $0x80, v3, vm0, $0xb8;
	[tilespmem:$0x10080] =	vst v63  }
0x2a0: {  	_ =	swait.ge [sflag:s26], $0x8000  }
0x2a1: {  	[sflag:s26] =	ssyncset.done $0x0  }
0x2a2: {  	s19 =	simm.s32 $0x0;
	[sflag:s26] =	ssyncadd.s32 $0xFFFF8000  }
.LBB2_30:
0x2a3: {  	s20 =	sshll.u32 s19, $0xA;
	s21 =	sshll.u32 s19, $0x7  }
0x2a4: {  	s20 =	sand.u32 $0x6000, s20;
	s21 =	sand.u32 $0x380, s21  }
0x2a5: {  	s25 =	sand.u32 $0x1C00, s18;
	s20 =	sor.u32 s20, s21  }
0x2a6: {  	s22 =	sand.u32 $0x70, s18;
	s21 =	sor.u32 s25, s20  }
0x2a7: {  	s21 =	sor.u32 s22, s21  }
0x2a8: {  	v3 =	vld [tilespmem:s21+$0x8080];
	_ =	sdelay $0x1  }
0x2a9: {  	v4 =	vld [tilespmem:s21+$0x80];
	_ =	sdelay $0x2  }
0x2aa: {  	v3 =	vmul.f32 $3.200000000e+01, v3  }
0x2ab: {  	s22 =	simm.s32 $0x80  }
0x2ac: {  	s23 =	simm.s32 $0x20;
	s25 =	simm.s32 $0x10;
	s30 =	sand.u32 $0x1C00, s22;
	v3 =	vadd.f32 v4, v3  }
.LBB2_31:
0x2ad: {  	p0 =	sne.s32 s23, $0x3F0;
	s25 =	sand.u32 $0x70, s25;
	s30 =	sor.u32 s30, s20  }
0x2ae: {  	[tilespmem:s21+$0x8080] =	vst v3;
	s21 =	sor.u32 s25, s30;
	s25 =	smov.u32 s23  }
0x2af: {  	v3 =	vld [tilespmem:s21+$0x8080];
	_ =	sdelay $0x1  }
0x2b0: {  	v4 =	vld [tilespmem:s21+$0x80]  }
.Ltmp14:
0x2b1: {  	(pc) =	sbr.rel @p0 .LBB2_31-.Ltmp14, $4  }
0x2b2: {  	_ = 	snop  }
0x2b3: {  	v3 =	vmul.f32 $3.200000000e+01, v3  }
0x2b4: {  	s22 =	sadd.s32 $0x80, s22  }
0x2b5: {  	s30 =	sand.u32 $0x1C00, s22;
	s23 =	sadd.s32 $0x10, s23;
	v3 =	vadd.f32 v4, v3  }
0x2b6: {  	s22 =	sand.u32 $0x70, s25;
	s20 =	sor.u32 s30, s20  }
0x2b7: {  	s20 =	sor.u32 s22, s20;
	[tilespmem:s21+$0x8080] =	vst v3  }
0x2b8: {  	v3 =	vld [tilespmem:s20+$0x8080];
	_ =	sdelay $0x1  }
0x2b9: {  	v4 =	vld [tilespmem:s20+$0x80]  }
0x2ba: {  	s19 =	sadd.s32 $0x1, s19  }
0x2bb: {  	p0 =	sne.s32 s19, $0x20  }
.Ltmp15:
0x2bc: {  	v3 =	vmul.f32 $3.200000000e+01, v3;
	(pc) =	sbr.rel @p0 .LBB2_30-.Ltmp15, $3  }
0x2bd: {  	_ = 	snop  }
0x2be: {  	v3 =	vadd.f32 v4, v3;
	_ =	sdelay $0x1  }
0x2bf: {  	[tilespmem:s20+$0x8080] =	vst v3  }
0x2c0: {  	s18 =	rddreg [dreg:$0x16]  }
0x2c1: {  	[hbm4b:s18+s3] =	stream.linear.scatter [tilespmem:s29], [sflag:$0x2], $0x8000, $0x38;
	[tilespmem:$0x10080] =	vst v63  }
0x2c2: {  	_ =	swait.ge [sflag:s28], $0x8000  }
0x2c3: {  	s17 =	sadd.s32 $0x1, s17;
	s30 =	rddreg [dreg:$0x17]  }
0x2c4: {  	p0 =	sne.s32 s17, s30  }
.Ltmp16:
0x2c5: {  	_ = 	snop;
	(pc) =	sbr.rel @p0 .LBB2_1-.Ltmp16, $3  }
0x2c6: {  	_ =	sdelay $0x1  }
0x2c7: {  	[sflag:s28] =	ssyncset.done $0x0  }
0x2c8: {  	[sflag:s28] =	ssyncadd.s32 $0xFFFF8000  }
0x2c9: {  	_ =	sfence.sel $0x180000  }
0x2ca: {  	[bflag:$0x0] =	sbarrier.arrive $0xFFFF  }
0x2cb: {  	_ =	strace $0x90000047  }
0x2cc: {  	s0 =	stileid.u32;
	[bflag:$0x2] =	sbarrier.arrive $0xFFFF  }
0x2cd: {  	p0 =	sne.s32 s0, $0x0;
	s0 =	rddreg [dreg:$0x4]  }
0x2ce: {  	s0 =	sadd.s32 @!p0 $0x100000, s0  }
0x2cf: {  	[sflag:s0] =	ssyncadd.tile.s32 @!p0 $0x1;
	_ =	shalt  }
.Lfunc_end2:
_tile_overlayer_lowered:
.L_overlay_start_2:
0x2d0: {  	(tag) =	ssettag $0x2  }
0x2d1: {  	s0 =	rddreg [dreg:$0x0];
	s2 =	stileid.u32  }
0x2d2: {  	s1 =	rddreg [dreg:$0x1];
	p0 =	sne.s32 s2, $0x0  }
0x2d3: {  	s3 =	rddreg [dreg:$0x2];
	[bflag:$0x3] =	sbarrier.arrive $0xFFFF;
	s2 =	simm.s32 @!p0 $0x1C02  }
0x2d4: {  	[timem:s3], [sflag:s2] =	dma.local @!p0 [hbm:s0], s1  }
0x2d5: {  	s0 =	simm.s32 @!p0 $0x2  }
0x2d6: {  	_ =	swait.ge @!p0 [sflag:s0], s1  }
0x2d7: {  	s1 =	ssub.s32 @!p0 $0x0, s1;
	[sflag:s0] =	ssyncset.done @!p0 $0x0  }
0x2d8: {  	[sflag:s0] =	ssyncadd.s32 @!p0 s1  }
0x2d9: {  	[bflag:$0x3] =	sbarrier.arrive $0xFFFF  }
0x2da: {  	_ =	shalt  }

</sc_bundles>
